<compile_context>
chip_gen: v7x
topology: tpu7x:2x2x1
jax: 0.10.2.dev20260603
libtpu: 0.0.44.dev20260713+nightly
codegen_flags: <defaults>
</compile_context>

<pallas_src>
import functools

import jax
import jax.numpy as jnp
from jax import lax
from jax.experimental import pallas as pl
from jax.experimental.pallas import tpu as pltpu
from jax.experimental.pallas import tpu_sc as plsc

EMBED = 128
NC = 2
NS = 16
NW = NC * NS
G = 64
NB = 10
IC = 8


def _sc_gather(xf2, table):
    rows_total, g = xf2.shape
    assert g == G
    B = rows_total * G
    per_w_rows = rows_total // NW
    nb_iter = per_w_rows // NB
    nchunk = per_w_rows // (NB * IC)
    assert per_w_rows % (NB * IC) == 0
    mesh = plsc.VectorSubcoreMesh(core_axis_name="c", subcore_axis_name="s")

    scratch = [
        pltpu.VMEM((2, IC * NB, G), jnp.int32),
        pltpu.VMEM((NB, G, EMBED), jnp.float32),
        pltpu.VMEM_SHARED((32, EMBED), jnp.float32),
        pltpu.SemaphoreType.DMA,
    ] + [pltpu.SemaphoreType.DMA] * (2 * NB)

    @functools.partial(
        pl.kernel,
        mesh=mesh,
        out_type=jax.ShapeDtypeStruct((B, EMBED), jnp.float32),
        scratch_types=scratch,
    )
    def k(idx_hbm, table_hbm, out_hbm, idx_v, rows, table_sp, i_sem, *sems):
        g_sems = sems[:NB]
        st_sems = sems[NB:]
        wid = lax.axis_index("s") * NC + lax.axis_index("c")
        base_row = wid * per_w_rows
        CH = IC * NB

        @pl.when(lax.axis_index("s") == 0)
        def _load_table():
            pltpu.sync_copy(table_hbm, table_sp)

        pltpu.async_copy(idx_hbm.at[pl.ds(base_row, CH)], idx_v.at[0], i_sem)
        plsc.subcore_barrier()

        def body(j, carry):
            row0 = base_row + j * NB
            t = lax.div(j, IC)
            par = lax.rem(t, 2)

            @pl.when(lax.rem(j, IC) == 0)
            def _stage():
                pltpu.make_async_copy(
                    idx_hbm.at[pl.ds(pl.multiple_of(base_row + t * CH, 8), CH)],
                    idx_v.at[par], i_sem).wait()

                @pl.when(t + 1 < nchunk)
                def _prefetch():
                    pltpu.async_copy(
                        idx_hbm.at[pl.ds(
                            pl.multiple_of(base_row + (t + 1) * CH, 8), CH)],
                        idx_v.at[1 - par], i_sem)

            ib = lax.rem(j, IC) * NB
            for b in range(NB):
                @pl.when(j > 0)
                def _drain(b=b):
                    pltpu.make_async_copy(
                        rows.at[b], out_hbm.at[pl.ds((row0 + b) * G, G)],
                        st_sems[b]).wait()
                pltpu.async_copy(table_sp.at[idx_v.at[par, ib + b]], rows.at[b],
                                 g_sems[b])
            for b in range(NB):
                pltpu.make_async_copy(table_sp.at[idx_v.at[par, ib + b]],
                                      rows.at[b], g_sems[b]).wait()
                pltpu.async_copy(rows.at[b], out_hbm.at[pl.ds((row0 + b) * G, G)],
                                 st_sems[b])
            return carry

        lax.fori_loop(0, nb_iter, body, 0)
        row_last = base_row + (nb_iter - 1) * NB
        for b in range(NB):
            pltpu.make_async_copy(
                rows.at[b], out_hbm.at[pl.ds((row_last + b) * G, G)],
                st_sems[b]).wait()

    return k(xf2, table)


def kernel(x, table):
    n, s = x.shape
    xf2 = x.reshape((n * s) // G, G)
    out = _sc_gather(xf2, table)
    return out.reshape(n, s, EMBED)

# --- scband reference (transcript-rebuilt; emitter-appended) ---
"""Pipeline reference for scband-char-embedding-37623913513634 (READ-ONLY COPY).

The authoritative reference and input builder live on the scoring server;
editing this copy changes nothing except your own understanding.
"""

import jax, jax.numpy as jnp
import numpy as np

VOCAB_SIZE = 32  # len(string.ascii_lowercase + ' ,.;:?!')
EMBED_DIM = 128

def setup_inputs(seed: int = 0) -> dict:
    key = jax.random.key(seed)
    k1, k2 = jax.random.split(key)
    x = jax.random.randint(k1, (16384, 200), 0, VOCAB_SIZE, dtype=jnp.int64 if jax.config.jax_enable_x64 else jnp.int32)
    table = jax.random.normal(k2, (VOCAB_SIZE, EMBED_DIM), dtype=jnp.float32)
    return {"x": x, "table": table}

def reference(x, table):
    # CharEmbedding.forward: self.embedding(x)
    return jnp.take(table, x, axis=0)

if __name__ == "__main__":
    import jax
    _d = setup_inputs()
    print(jax.jit(kernel)(*tuple(_d.values())))

</pallas_src>

<mosaic_0001>
#map = affine_map<(d0, d1) -> (0, 0)>
module attributes {stable_mosaic.version = 14 : i64} {
  func.func @k(%arg0: i32, %arg1: i32, %arg2: memref<51200x64xi32, #tpu.memory_space<hbm>>, %arg3: memref<32x128xf32, #tpu.memory_space<hbm>>, %arg4: memref<3276800x128xf32, #tpu.memory_space<hbm>>, %arg5: memref<2x80x64xi32, #tpu.memory_space<vmem>>, %arg6: memref<10x64x128xf32, #tpu.memory_space<vmem>>, %arg7: memref<32x128xf32, #tpu.memory_space<vmem_shared>>, %arg8: memref<!tpu.dma_semaphore, #tpu.memory_space<semaphore_mem>>, %arg9: memref<!tpu.dma_semaphore, #tpu.memory_space<semaphore_mem>>, %arg10: memref<!tpu.dma_semaphore, #tpu.memory_space<semaphore_mem>>, %arg11: memref<!tpu.dma_semaphore, #tpu.memory_space<semaphore_mem>>, %arg12: memref<!tpu.dma_semaphore, #tpu.memory_space<semaphore_mem>>, %arg13: memref<!tpu.dma_semaphore, #tpu.memory_space<semaphore_mem>>, %arg14: memref<!tpu.dma_semaphore, #tpu.memory_space<semaphore_mem>>, %arg15: memref<!tpu.dma_semaphore, #tpu.memory_space<semaphore_mem>>, %arg16: memref<!tpu.dma_semaphore, #tpu.memory_space<semaphore_mem>>, %arg17: memref<!tpu.dma_semaphore, #tpu.memory_space<semaphore_mem>>, %arg18: memref<!tpu.dma_semaphore, #tpu.memory_space<semaphore_mem>>, %arg19: memref<!tpu.dma_semaphore, #tpu.memory_space<semaphore_mem>>, %arg20: memref<!tpu.dma_semaphore, #tpu.memory_space<semaphore_mem>>, %arg21: memref<!tpu.dma_semaphore, #tpu.memory_space<semaphore_mem>>, %arg22: memref<!tpu.dma_semaphore, #tpu.memory_space<semaphore_mem>>, %arg23: memref<!tpu.dma_semaphore, #tpu.memory_space<semaphore_mem>>, %arg24: memref<!tpu.dma_semaphore, #tpu.memory_space<semaphore_mem>>, %arg25: memref<!tpu.dma_semaphore, #tpu.memory_space<semaphore_mem>>, %arg26: memref<!tpu.dma_semaphore, #tpu.memory_space<semaphore_mem>>, %arg27: memref<!tpu.dma_semaphore, #tpu.memory_space<semaphore_mem>>, %arg28: memref<!tpu.dma_semaphore, #tpu.memory_space<semaphore_mem>>) attributes {dimension_semantics = [#tpu.dimension_semantics<core_parallel>, #tpu.dimension_semantics<subcore_parallel>], iteration_bounds = array<i64: 2, 16>, scalar_prefetch = 0 : i64, scratch_operands = 24 : i64, tpu.core_type = #tpu.core_type<sc_vector_subcore>, window_params = [{transform_indices = #map}, {transform_indices = #map}, {transform_indices = #map}]} {
    %mul3A = arith.constant 2 : i32
    %mul3A_0 = arith.muli %arg1, %mul3A : i32
    %add3A = arith.addi %mul3A_0, %arg0 : i32
    %mul3A_1 = arith.constant 1600 : i32
    %mul3A_2 = arith.muli %add3A, %mul3A_1 : i32
    %eq3A = arith.constant 0 : i32
    %eq3A_3 = arith.cmpi eq, %arg1, %eq3A : i32
    %convert_element_type3A = arith.extui %eq3A_3 : i1 to i32
    %cond3A = arith.constant 0 : i32
    %cond3A_4 = arith.cmpi ne, %convert_element_type3A, %cond3A : i32
    scf.if %cond3A_4 {
      "tpu.region"() ({
        %run_scoped3A = tpu.sem_alloc : memref<!tpu.dma_semaphore, #tpu.memory_space<semaphore_mem>>
        tpu.enqueue_dma source(%arg3 : memref<32x128xf32, #tpu.memory_space<hbm>>) target(%arg7 : memref<32x128xf32, #tpu.memory_space<vmem_shared>>) target_semaphore(%run_scoped3A : memref<!tpu.dma_semaphore, #tpu.memory_space<semaphore_mem>>)
        tpu.wait_dma2 semaphore(%run_scoped3A : memref<!tpu.dma_semaphore, #tpu.memory_space<semaphore_mem>>) src(%arg3 : memref<32x128xf32, #tpu.memory_space<hbm>>) dst(%arg7 : memref<32x128xf32, #tpu.memory_space<vmem_shared>>)
        tpu.yield
      }) : () -> ()
    } else {
    }
    %dma_start3A = arith.constant 0 : i32
    %dma_start3A_5 = arith.constant 0 : i32
    %dma_start3A_6 = arith.constant 0 : i32
    %dma_start3A_7 = tpu.memref_slice %arg5[%dma_start3A, %dma_start3A_5, %dma_start3A_6] : memref<2x80x64xi32, #tpu.memory_space<vmem>> -> memref<1x80x64xi32, #tpu.memory_space<vmem>>
    %dma_start3A_8 = tpu.memref_squeeze %dma_start3A_7 : memref<1x80x64xi32, #tpu.memory_space<vmem>> -> memref<80x64xi32, #tpu.memory_space<vmem>>
    %dma_start3A_9 = arith.constant 0 : i32
    %dma_start3A_10 = tpu.memref_slice %arg2[%mul3A_2, %dma_start3A_9] : memref<51200x64xi32, #tpu.memory_space<hbm>> -> memref<80x64xi32, #tpu.memory_space<hbm>>
    %dma_start3A_11 = arith.constant 0 : i32
    %dma_start3A_12 = arith.constant 0 : i32
    %dma_start3A_13 = tpu.memref_slice %arg5[%dma_start3A, %dma_start3A_11, %dma_start3A_12] : memref<2x80x64xi32, #tpu.memory_space<vmem>> -> memref<1x80x64xi32, #tpu.memory_space<vmem>>
    %dma_start3A_14 = tpu.memref_squeeze %dma_start3A_13 : memref<1x80x64xi32, #tpu.memory_space<vmem>> -> memref<80x64xi32, #tpu.memory_space<vmem>>
    %dma_start3A_15 = arith.constant 0 : i32
    %dma_start3A_16 = tpu.memref_slice %arg2[%mul3A_2, %dma_start3A_15] : memref<51200x64xi32, #tpu.memory_space<hbm>> -> memref<80x64xi32, #tpu.memory_space<hbm>>
    tpu.enqueue_dma source(%dma_start3A_16 : memref<80x64xi32, #tpu.memory_space<hbm>>) target(%dma_start3A_14 : memref<80x64xi32, #tpu.memory_space<vmem>>) target_semaphore(%arg8 : memref<!tpu.dma_semaphore, #tpu.memory_space<semaphore_mem>>)
    %barrier3A = arith.constant 0 : index
    tpu.barrier barrier_id(%barrier3A)
    %scan3A = arith.constant 0 : i32
    %scan3A_17 = arith.constant 0 : i32
    %scan3A_18 = arith.constant 160 : i32
    %scan3A_19 = arith.addi %scan3A_17, %scan3A_18 : i32
    %scan3A_20 = arith.constant 1 : i32
    scf.for %scan3A_193 = %scan3A_17 to %scan3A_19 step %scan3A_20  : i32 {
      %mul3A_194 = arith.constant 10 : i32
      %mul3A_195 = arith.muli %scan3A_193, %mul3A_194 : i32
      %add3A_196 = arith.addi %mul3A_2, %mul3A_195 : i32
      %div3A = arith.constant 8 : i32
      %div3A_197 = arith.divsi %scan3A_193, %div3A : i32
      %rem3A = arith.constant 2 : i32
      %rem3A_198 = arith.remsi %div3A_197, %rem3A : i32
      %rem3A_199 = arith.constant 8 : i32
      %rem3A_200 = arith.remsi %scan3A_193, %rem3A_199 : i32
      %eq3A_201 = arith.constant 0 : i32
      %eq3A_202 = arith.cmpi eq, %rem3A_200, %eq3A_201 : i32
      %convert_element_type3A_203 = arith.extui %eq3A_202 : i1 to i32
      %cond3A_204 = arith.constant 0 : i32
      %cond3A_205 = arith.cmpi ne, %convert_element_type3A_203, %cond3A_204 : i32
      scf.if %cond3A_205 {
        %mul3A_689 = arith.constant 80 : i32
        %mul3A_690 = arith.muli %div3A_197, %mul3A_689 : i32
        %add3A_691 = arith.addi %mul3A_2, %mul3A_690 : i32
        %multiple_of3A = tpu.assume_multiple %add3A_691, 8 : i32
        %dma_wait3A_692 = arith.constant 0 : i32
        %dma_wait3A_693 = arith.constant 0 : i32
        %dma_wait3A_694 = tpu.memref_slice %arg5[%rem3A_198, %dma_wait3A_692, %dma_wait3A_693] : memref<2x80x64xi32, #tpu.memory_space<vmem>> -> memref<1x80x64xi32, #tpu.memory_space<vmem>>
        %dma_wait3A_695 = tpu.memref_squeeze %dma_wait3A_694 : memref<1x80x64xi32, #tpu.memory_space<vmem>> -> memref<80x64xi32, #tpu.memory_space<vmem>>
        %dma_wait3A_696 = arith.constant 0 : i32
        %dma_wait3A_697 = tpu.memref_slice %arg2[%multiple_of3A, %dma_wait3A_696] : memref<51200x64xi32, #tpu.memory_space<hbm>> -> memref<80x64xi32, #tpu.memory_space<hbm>>
        %dma_wait3A_698 = arith.constant 0 : i32
        %dma_wait3A_699 = arith.constant 0 : i32
        %dma_wait3A_700 = tpu.memref_slice %arg5[%rem3A_198, %dma_wait3A_698, %dma_wait3A_699] : memref<2x80x64xi32, #tpu.memory_space<vmem>> -> memref<1x80x64xi32, #tpu.memory_space<vmem>>
        %dma_wait3A_701 = tpu.memref_squeeze %dma_wait3A_700 : memref<1x80x64xi32, #tpu.memory_space<vmem>> -> memref<80x64xi32, #tpu.memory_space<vmem>>
        %dma_wait3A_702 = arith.constant 0 : i32
        %dma_wait3A_703 = tpu.memref_slice %arg2[%multiple_of3A, %dma_wait3A_702] : memref<51200x64xi32, #tpu.memory_space<hbm>> -> memref<80x64xi32, #tpu.memory_space<hbm>>
        tpu.wait_dma2 semaphore(%arg8 : memref<!tpu.dma_semaphore, #tpu.memory_space<semaphore_mem>>) src(%dma_wait3A_703 : memref<80x64xi32, #tpu.memory_space<hbm>>) dst(%dma_wait3A_701 : memref<80x64xi32, #tpu.memory_space<vmem>>)
        %add3A_704 = arith.constant 1 : i32
        %add3A_705 = arith.addi %div3A_197, %add3A_704 : i32
        %lt3A = arith.constant 20 : i32
        %lt3A_706 = arith.cmpi slt, %add3A_705, %lt3A : i32
        %convert_element_type3A_707 = arith.extui %lt3A_706 : i1 to i32
        %cond3A_708 = arith.constant 0 : i32
        %cond3A_709 = arith.cmpi ne, %convert_element_type3A_707, %cond3A_708 : i32
        scf.if %cond3A_709 {
          %add3A_710 = arith.constant 1 : i32
          %add3A_711 = arith.addi %div3A_197, %add3A_710 : i32
          %mul3A_712 = arith.constant 80 : i32
          %mul3A_713 = arith.muli %add3A_711, %mul3A_712 : i32
          %add3A_714 = arith.addi %mul3A_2, %mul3A_713 : i32
          %multiple_of3A_715 = tpu.assume_multiple %add3A_714, 8 : i32
          %sub3A = arith.constant 1 : i32
          %sub3A_716 = arith.subi %sub3A, %rem3A_198 : i32
          %dma_start3A_717 = arith.constant 0 : i32
          %dma_start3A_718 = arith.constant 0 : i32
          %dma_start3A_719 = tpu.memref_slice %arg5[%sub3A_716, %dma_start3A_717, %dma_start3A_718] : memref<2x80x64xi32, #tpu.memory_space<vmem>> -> memref<1x80x64xi32, #tpu.memory_space<vmem>>
          %dma_start3A_720 = tpu.memref_squeeze %dma_start3A_719 : memref<1x80x64xi32, #tpu.memory_space<vmem>> -> memref<80x64xi32, #tpu.memory_space<vmem>>
          %dma_start3A_721 = arith.constant 0 : i32
          %dma_start3A_722 = tpu.memref_slice %arg2[%multiple_of3A_715, %dma_start3A_721] : memref<51200x64xi32, #tpu.memory_space<hbm>> -> memref<80x64xi32, #tpu.memory_space<hbm>>
          %dma_start3A_723 = arith.constant 0 : i32
          %dma_start3A_724 = arith.constant 0 : i32
          %dma_start3A_725 = tpu.memref_slice %arg5[%sub3A_716, %dma_start3A_723, %dma_start3A_724] : memref<2x80x64xi32, #tpu.memory_space<vmem>> -> memref<1x80x64xi32, #tpu.memory_space<vmem>>
          %dma_start3A_726 = tpu.memref_squeeze %dma_start3A_725 : memref<1x80x64xi32, #tpu.memory_space<vmem>> -> memref<80x64xi32, #tpu.memory_space<vmem>>
          %dma_start3A_727 = arith.constant 0 : i32
          %dma_start3A_728 = tpu.memref_slice %arg2[%multiple_of3A_715, %dma_start3A_727] : memref<51200x64xi32, #tpu.memory_space<hbm>> -> memref<80x64xi32, #tpu.memory_space<hbm>>
          tpu.enqueue_dma source(%dma_start3A_728 : memref<80x64xi32, #tpu.memory_space<hbm>>) target(%dma_start3A_726 : memref<80x64xi32, #tpu.memory_space<vmem>>) target_semaphore(%arg8 : memref<!tpu.dma_semaphore, #tpu.memory_space<semaphore_mem>>)
        } else {
        }
      } else {
      }
      %rem3A_206 = arith.constant 8 : i32
      %rem3A_207 = arith.remsi %scan3A_193, %rem3A_206 : i32
      %mul3A_208 = arith.constant 10 : i32
      %mul3A_209 = arith.muli %rem3A_207, %mul3A_208 : i32
      %gt3A = arith.constant 0 : i32
      %gt3A_210 = arith.cmpi sgt, %scan3A_193, %gt3A : i32
      %convert_element_type3A_211 = arith.extui %gt3A_210 : i1 to i32
      %cond3A_212 = arith.constant 0 : i32
      %cond3A_213 = arith.cmpi ne, %convert_element_type3A_211, %cond3A_212 : i32
      scf.if %cond3A_213 {
        %add3A_689 = arith.constant 0 : i32
        %add3A_690 = arith.addi %add3A_196, %add3A_689 : i32
        %mul3A_691 = arith.constant 64 : i32
        %mul3A_692 = arith.muli %add3A_690, %mul3A_691 : i32
        %dma_wait3A_693 = arith.constant 0 : i32
        %dma_wait3A_694 = arith.constant 0 : i32
        %dma_wait3A_695 = arith.constant 0 : i32
        %dma_wait3A_696 = tpu.memref_slice %arg6[%dma_wait3A_693, %dma_wait3A_694, %dma_wait3A_695] : memref<10x64x128xf32, #tpu.memory_space<vmem>> -> memref<1x64x128xf32, #tpu.memory_space<vmem>>
        %dma_wait3A_697 = tpu.memref_squeeze %dma_wait3A_696 : memref<1x64x128xf32, #tpu.memory_space<vmem>> -> memref<64x128xf32, #tpu.memory_space<vmem>>
        %dma_wait3A_698 = arith.constant 0 : i32
        %dma_wait3A_699 = tpu.memref_slice %arg4[%mul3A_692, %dma_wait3A_698] : memref<3276800x128xf32, #tpu.memory_space<hbm>> -> memref<64x128xf32, #tpu.memory_space<hbm>>
        %dma_wait3A_700 = arith.constant 0 : i32
        %dma_wait3A_701 = tpu.memref_slice %arg4[%mul3A_692, %dma_wait3A_700] : memref<3276800x128xf32, #tpu.memory_space<hbm>> -> memref<64x128xf32, #tpu.memory_space<hbm>>
        %dma_wait3A_702 = arith.constant 0 : i32
        %dma_wait3A_703 = arith.constant 0 : i32
        %dma_wait3A_704 = tpu.memref_slice %arg6[%dma_wait3A_693, %dma_wait3A_702, %dma_wait3A_703] : memref<10x64x128xf32, #tpu.memory_space<vmem>> -> memref<1x64x128xf32, #tpu.memory_space<vmem>>
        %dma_wait3A_705 = tpu.memref_squeeze %dma_wait3A_704 : memref<1x64x128xf32, #tpu.memory_space<vmem>> -> memref<64x128xf32, #tpu.memory_space<vmem>>
        tpu.wait_dma2 semaphore(%arg19 : memref<!tpu.dma_semaphore, #tpu.memory_space<semaphore_mem>>) src(%dma_wait3A_705 : memref<64x128xf32, #tpu.memory_space<vmem>>) dst(%dma_wait3A_701 : memref<64x128xf32, #tpu.memory_space<hbm>>)
      } else {
      }
      %add3A_214 = arith.constant 0 : i32
      %add3A_215 = arith.addi %mul3A_209, %add3A_214 : i32
      %dma_start3A_216 = arith.constant 0 : i32
      %dma_start3A_217 = arith.constant 0 : i32
      %dma_start3A_218 = arith.constant 0 : i32
      %dma_start3A_219 = tpu.memref_slice %arg6[%dma_start3A_216, %dma_start3A_217, %dma_start3A_218] : memref<10x64x128xf32, #tpu.memory_space<vmem>> -> memref<1x64x128xf32, #tpu.memory_space<vmem>>
      %dma_start3A_220 = tpu.memref_squeeze %dma_start3A_219 : memref<1x64x128xf32, #tpu.memory_space<vmem>> -> memref<64x128xf32, #tpu.memory_space<vmem>>
      %dma_start3A_221 = arith.constant 0 : i32
      %dma_start3A_222 = tpu.memref_slice %arg5[%rem3A_198, %add3A_215, %dma_start3A_221] : memref<2x80x64xi32, #tpu.memory_space<vmem>> -> memref<1x1x64xi32, #tpu.memory_space<vmem>>
      %dma_start3A_223 = tpu.memref_squeeze %dma_start3A_222 : memref<1x1x64xi32, #tpu.memory_space<vmem>> -> memref<64xi32, #tpu.memory_space<vmem>>
      %dma_start3A_224 = arith.constant 0 : i32
      %dma_start3A_225 = arith.constant 0 : i32
      %dma_start3A_226 = tpu.memref_slice %arg7[%dma_start3A_224, %dma_start3A_225] : memref<32x128xf32, #tpu.memory_space<vmem_shared>> -> memref<32x128xf32, #tpu.memory_space<vmem_shared>>
      tpu.enqueue_indirect_dma source(%dma_start3A_226 : memref<32x128xf32, #tpu.memory_space<vmem_shared>>) target(%dma_start3A_220 : memref<64x128xf32, #tpu.memory_space<vmem>>) offsets(%dma_start3A_223 : memref<64xi32, #tpu.memory_space<vmem>>) semaphore(%arg9 : memref<!tpu.dma_semaphore, #tpu.memory_space<semaphore_mem>>)
      %gt3A_227 = arith.constant 0 : i32
      %gt3A_228 = arith.cmpi sgt, %scan3A_193, %gt3A_227 : i32
      %convert_element_type3A_229 = arith.extui %gt3A_228 : i1 to i32
      %cond3A_230 = arith.constant 0 : i32
      %cond3A_231 = arith.cmpi ne, %convert_element_type3A_229, %cond3A_230 : i32
      scf.if %cond3A_231 {
        %add3A_689 = arith.constant 1 : i32
        %add3A_690 = arith.addi %add3A_196, %add3A_689 : i32
        %mul3A_691 = arith.constant 64 : i32
        %mul3A_692 = arith.muli %add3A_690, %mul3A_691 : i32
        %dma_wait3A_693 = arith.constant 1 : i32
        %dma_wait3A_694 = arith.constant 0 : i32
        %dma_wait3A_695 = arith.constant 0 : i32
        %dma_wait3A_696 = tpu.memref_slice %arg6[%dma_wait3A_693, %dma_wait3A_694, %dma_wait3A_695] : memref<10x64x128xf32, #tpu.memory_space<vmem>> -> memref<1x64x128xf32, #tpu.memory_space<vmem>>
        %dma_wait3A_697 = tpu.memref_squeeze %dma_wait3A_696 : memref<1x64x128xf32, #tpu.memory_space<vmem>> -> memref<64x128xf32, #tpu.memory_space<vmem>>
        %dma_wait3A_698 = arith.constant 0 : i32
        %dma_wait3A_699 = tpu.memref_slice %arg4[%mul3A_692, %dma_wait3A_698] : memref<3276800x128xf32, #tpu.memory_space<hbm>> -> memref<64x128xf32, #tpu.memory_space<hbm>>
        %dma_wait3A_700 = arith.constant 0 : i32
        %dma_wait3A_701 = tpu.memref_slice %arg4[%mul3A_692, %dma_wait3A_700] : memref<3276800x128xf32, #tpu.memory_space<hbm>> -> memref<64x128xf32, #tpu.memory_space<hbm>>
        %dma_wait3A_702 = arith.constant 0 : i32
        %dma_wait3A_703 = arith.constant 0 : i32
        %dma_wait3A_704 = tpu.memref_slice %arg6[%dma_wait3A_693, %dma_wait3A_702, %dma_wait3A_703] : memref<10x64x128xf32, #tpu.memory_space<vmem>> -> memref<1x64x128xf32, #tpu.memory_space<vmem>>
        %dma_wait3A_705 = tpu.memref_squeeze %dma_wait3A_704 : memref<1x64x128xf32, #tpu.memory_space<vmem>> -> memref<64x128xf32, #tpu.memory_space<vmem>>
        tpu.wait_dma2 semaphore(%arg20 : memref<!tpu.dma_semaphore, #tpu.memory_space<semaphore_mem>>) src(%dma_wait3A_705 : memref<64x128xf32, #tpu.memory_space<vmem>>) dst(%dma_wait3A_701 : memref<64x128xf32, #tpu.memory_space<hbm>>)
      } else {
      }
      %add3A_232 = arith.constant 1 : i32
      %add3A_233 = arith.addi %mul3A_209, %add3A_232 : i32
      %dma_start3A_234 = arith.constant 1 : i32
      %dma_start3A_235 = arith.constant 0 : i32
      %dma_start3A_236 = arith.constant 0 : i32
      %dma_start3A_237 = tpu.memref_slice %arg6[%dma_start3A_234, %dma_start3A_235, %dma_start3A_236] : memref<10x64x128xf32, #tpu.memory_space<vmem>> -> memref<1x64x128xf32, #tpu.memory_space<vmem>>
      %dma_start3A_238 = tpu.memref_squeeze %dma_start3A_237 : memref<1x64x128xf32, #tpu.memory_space<vmem>> -> memref<64x128xf32, #tpu.memory_space<vmem>>
      %dma_start3A_239 = arith.constant 0 : i32
      %dma_start3A_240 = tpu.memref_slice %arg5[%rem3A_198, %add3A_233, %dma_start3A_239] : memref<2x80x64xi32, #tpu.memory_space<vmem>> -> memref<1x1x64xi32, #tpu.memory_space<vmem>>
      %dma_start3A_241 = tpu.memref_squeeze %dma_start3A_240 : memref<1x1x64xi32, #tpu.memory_space<vmem>> -> memref<64xi32, #tpu.memory_space<vmem>>
      %dma_start3A_242 = arith.constant 0 : i32
      %dma_start3A_243 = arith.constant 0 : i32
      %dma_start3A_244 = tpu.memref_slice %arg7[%dma_start3A_242, %dma_start3A_243] : memref<32x128xf32, #tpu.memory_space<vmem_shared>> -> memref<32x128xf32, #tpu.memory_space<vmem_shared>>
      tpu.enqueue_indirect_dma source(%dma_start3A_244 : memref<32x128xf32, #tpu.memory_space<vmem_shared>>) target(%dma_start3A_238 : memref<64x128xf32, #tpu.memory_space<vmem>>) offsets(%dma_start3A_241 : memref<64xi32, #tpu.memory_space<vmem>>) semaphore(%arg10 : memref<!tpu.dma_semaphore, #tpu.memory_space<semaphore_mem>>)
      %gt3A_245 = arith.constant 0 : i32
      %gt3A_246 = arith.cmpi sgt, %scan3A_193, %gt3A_245 : i32
      %convert_element_type3A_247 = arith.extui %gt3A_246 : i1 to i32
      %cond3A_248 = arith.constant 0 : i32
      %cond3A_249 = arith.cmpi ne, %convert_element_type3A_247, %cond3A_248 : i32
      scf.if %cond3A_249 {
        %add3A_689 = arith.constant 2 : i32
        %add3A_690 = arith.addi %add3A_196, %add3A_689 : i32
        %mul3A_691 = arith.constant 64 : i32
        %mul3A_692 = arith.muli %add3A_690, %mul3A_691 : i32
        %dma_wait3A_693 = arith.constant 2 : i32
        %dma_wait3A_694 = arith.constant 0 : i32
        %dma_wait3A_695 = arith.constant 0 : i32
        %dma_wait3A_696 = tpu.memref_slice %arg6[%dma_wait3A_693, %dma_wait3A_694, %dma_wait3A_695] : memref<10x64x128xf32, #tpu.memory_space<vmem>> -> memref<1x64x128xf32, #tpu.memory_space<vmem>>
        %dma_wait3A_697 = tpu.memref_squeeze %dma_wait3A_696 : memref<1x64x128xf32, #tpu.memory_space<vmem>> -> memref<64x128xf32, #tpu.memory_space<vmem>>
        %dma_wait3A_698 = arith.constant 0 : i32
        %dma_wait3A_699 = tpu.memref_slice %arg4[%mul3A_692, %dma_wait3A_698] : memref<3276800x128xf32, #tpu.memory_space<hbm>> -> memref<64x128xf32, #tpu.memory_space<hbm>>
        %dma_wait3A_700 = arith.constant 0 : i32
        %dma_wait3A_701 = tpu.memref_slice %arg4[%mul3A_692, %dma_wait3A_700] : memref<3276800x128xf32, #tpu.memory_space<hbm>> -> memref<64x128xf32, #tpu.memory_space<hbm>>
        %dma_wait3A_702 = arith.constant 0 : i32
        %dma_wait3A_703 = arith.constant 0 : i32
        %dma_wait3A_704 = tpu.memref_slice %arg6[%dma_wait3A_693, %dma_wait3A_702, %dma_wait3A_703] : memref<10x64x128xf32, #tpu.memory_space<vmem>> -> memref<1x64x128xf32, #tpu.memory_space<vmem>>
        %dma_wait3A_705 = tpu.memref_squeeze %dma_wait3A_704 : memref<1x64x128xf32, #tpu.memory_space<vmem>> -> memref<64x128xf32, #tpu.memory_space<vmem>>
        tpu.wait_dma2 semaphore(%arg21 : memref<!tpu.dma_semaphore, #tpu.memory_space<semaphore_mem>>) src(%dma_wait3A_705 : memref<64x128xf32, #tpu.memory_space<vmem>>) dst(%dma_wait3A_701 : memref<64x128xf32, #tpu.memory_space<hbm>>)
      } else {
      }
      %add3A_250 = arith.constant 2 : i32
      %add3A_251 = arith.addi %mul3A_209, %add3A_250 : i32
      %dma_start3A_252 = arith.constant 2 : i32
      %dma_start3A_253 = arith.constant 0 : i32
      %dma_start3A_254 = arith.constant 0 : i32
      %dma_start3A_255 = tpu.memref_slice %arg6[%dma_start3A_252, %dma_start3A_253, %dma_start3A_254] : memref<10x64x128xf32, #tpu.memory_space<vmem>> -> memref<1x64x128xf32, #tpu.memory_space<vmem>>
      %dma_start3A_256 = tpu.memref_squeeze %dma_start3A_255 : memref<1x64x128xf32, #tpu.memory_space<vmem>> -> memref<64x128xf32, #tpu.memory_space<vmem>>
      %dma_start3A_257 = arith.constant 0 : i32
      %dma_start3A_258 = tpu.memref_slice %arg5[%rem3A_198, %add3A_251, %dma_start3A_257] : memref<2x80x64xi32, #tpu.memory_space<vmem>> -> memref<1x1x64xi32, #tpu.memory_space<vmem>>
      %dma_start3A_259 = tpu.memref_squeeze %dma_start3A_258 : memref<1x1x64xi32, #tpu.memory_space<vmem>> -> memref<64xi32, #tpu.memory_space<vmem>>
      %dma_start3A_260 = arith.constant 0 : i32
      %dma_start3A_261 = arith.constant 0 : i32
      %dma_start3A_262 = tpu.memref_slice %arg7[%dma_start3A_260, %dma_start3A_261] : memref<32x128xf32, #tpu.memory_space<vmem_shared>> -> memref<32x128xf32, #tpu.memory_space<vmem_shared>>
      tpu.enqueue_indirect_dma source(%dma_start3A_262 : memref<32x128xf32, #tpu.memory_space<vmem_shared>>) target(%dma_start3A_256 : memref<64x128xf32, #tpu.memory_space<vmem>>) offsets(%dma_start3A_259 : memref<64xi32, #tpu.memory_space<vmem>>) semaphore(%arg11 : memref<!tpu.dma_semaphore, #tpu.memory_space<semaphore_mem>>)
      %gt3A_263 = arith.constant 0 : i32
      %gt3A_264 = arith.cmpi sgt, %scan3A_193, %gt3A_263 : i32
      %convert_element_type3A_265 = arith.extui %gt3A_264 : i1 to i32
      %cond3A_266 = arith.constant 0 : i32
      %cond3A_267 = arith.cmpi ne, %convert_element_type3A_265, %cond3A_266 : i32
      scf.if %cond3A_267 {
        %add3A_689 = arith.constant 3 : i32
        %add3A_690 = arith.addi %add3A_196, %add3A_689 : i32
        %mul3A_691 = arith.constant 64 : i32
        %mul3A_692 = arith.muli %add3A_690, %mul3A_691 : i32
        %dma_wait3A_693 = arith.constant 3 : i32
        %dma_wait3A_694 = arith.constant 0 : i32
        %dma_wait3A_695 = arith.constant 0 : i32
        %dma_wait3A_696 = tpu.memref_slice %arg6[%dma_wait3A_693, %dma_wait3A_694, %dma_wait3A_695] : memref<10x64x128xf32, #tpu.memory_space<vmem>> -> memref<1x64x128xf32, #tpu.memory_space<vmem>>
        %dma_wait3A_697 = tpu.memref_squeeze %dma_wait3A_696 : memref<1x64x128xf32, #tpu.memory_space<vmem>> -> memref<64x128xf32, #tpu.memory_space<vmem>>
        %dma_wait3A_698 = arith.constant 0 : i32
        %dma_wait3A_699 = tpu.memref_slice %arg4[%mul3A_692, %dma_wait3A_698] : memref<3276800x128xf32, #tpu.memory_space<hbm>> -> memref<64x128xf32, #tpu.memory_space<hbm>>
        %dma_wait3A_700 = arith.constant 0 : i32
        %dma_wait3A_701 = tpu.memref_slice %arg4[%mul3A_692, %dma_wait3A_700] : memref<3276800x128xf32, #tpu.memory_space<hbm>> -> memref<64x128xf32, #tpu.memory_space<hbm>>
        %dma_wait3A_702 = arith.constant 0 : i32
        %dma_wait3A_703 = arith.constant 0 : i32
        %dma_wait3A_704 = tpu.memref_slice %arg6[%dma_wait3A_693, %dma_wait3A_702, %dma_wait3A_703] : memref<10x64x128xf32, #tpu.memory_space<vmem>> -> memref<1x64x128xf32, #tpu.memory_space<vmem>>
        %dma_wait3A_705 = tpu.memref_squeeze %dma_wait3A_704 : memref<1x64x128xf32, #tpu.memory_space<vmem>> -> memref<64x128xf32, #tpu.memory_space<vmem>>
        tpu.wait_dma2 semaphore(%arg22 : memref<!tpu.dma_semaphore, #tpu.memory_space<semaphore_mem>>) src(%dma_wait3A_705 : memref<64x128xf32, #tpu.memory_space<vmem>>) dst(%dma_wait3A_701 : memref<64x128xf32, #tpu.memory_space<hbm>>)
      } else {
      }
      %add3A_268 = arith.constant 3 : i32
      %add3A_269 = arith.addi %mul3A_209, %add3A_268 : i32
      %dma_start3A_270 = arith.constant 3 : i32
      %dma_start3A_271 = arith.constant 0 : i32
      %dma_start3A_272 = arith.constant 0 : i32
      %dma_start3A_273 = tpu.memref_slice %arg6[%dma_start3A_270, %dma_start3A_271, %dma_start3A_272] : memref<10x64x128xf32, #tpu.memory_space<vmem>> -> memref<1x64x128xf32, #tpu.memory_space<vmem>>
      %dma_start3A_274 = tpu.memref_squeeze %dma_start3A_273 : memref<1x64x128xf32, #tpu.memory_space<vmem>> -> memref<64x128xf32, #tpu.memory_space<vmem>>
      %dma_start3A_275 = arith.constant 0 : i32
      %dma_start3A_276 = tpu.memref_slice %arg5[%rem3A_198, %add3A_269, %dma_start3A_275] : memref<2x80x64xi32, #tpu.memory_space<vmem>> -> memref<1x1x64xi32, #tpu.memory_space<vmem>>
      %dma_start3A_277 = tpu.memref_squeeze %dma_start3A_276 : memref<1x1x64xi32, #tpu.memory_space<vmem>> -> memref<64xi32, #tpu.memory_space<vmem>>
      %dma_start3A_278 = arith.constant 0 : i32
      %dma_start3A_279 = arith.constant 0 : i32
      %dma_start3A_280 = tpu.memref_slice %arg7[%dma_start3A_278, %dma_start3A_279] : memref<32x128xf32, #tpu.memory_space<vmem_shared>> -> memref<32x128xf32, #tpu.memory_space<vmem_shared>>
      tpu.enqueue_indirect_dma source(%dma_start3A_280 : memref<32x128xf32, #tpu.memory_space<vmem_shared>>) target(%dma_start3A_274 : memref<64x128xf32, #tpu.memory_space<vmem>>) offsets(%dma_start3A_277 : memref<64xi32, #tpu.memory_space<vmem>>) semaphore(%arg12 : memref<!tpu.dma_semaphore, #tpu.memory_space<semaphore_mem>>)
      %gt3A_281 = arith.constant 0 : i32
      %gt3A_282 = arith.cmpi sgt, %scan3A_193, %gt3A_281 : i32
      %convert_element_type3A_283 = arith.extui %gt3A_282 : i1 to i32
      %cond3A_284 = arith.constant 0 : i32
      %cond3A_285 = arith.cmpi ne, %convert_element_type3A_283, %cond3A_284 : i32
      scf.if %cond3A_285 {
        %add3A_689 = arith.constant 4 : i32
        %add3A_690 = arith.addi %add3A_196, %add3A_689 : i32
        %mul3A_691 = arith.constant 64 : i32
        %mul3A_692 = arith.muli %add3A_690, %mul3A_691 : i32
        %dma_wait3A_693 = arith.constant 4 : i32
        %dma_wait3A_694 = arith.constant 0 : i32
        %dma_wait3A_695 = arith.constant 0 : i32
        %dma_wait3A_696 = tpu.memref_slice %arg6[%dma_wait3A_693, %dma_wait3A_694, %dma_wait3A_695] : memref<10x64x128xf32, #tpu.memory_space<vmem>> -> memref<1x64x128xf32, #tpu.memory_space<vmem>>
        %dma_wait3A_697 = tpu.memref_squeeze %dma_wait3A_696 : memref<1x64x128xf32, #tpu.memory_space<vmem>> -> memref<64x128xf32, #tpu.memory_space<vmem>>
        %dma_wait3A_698 = arith.constant 0 : i32
        %dma_wait3A_699 = tpu.memref_slice %arg4[%mul3A_692, %dma_wait3A_698] : memref<3276800x128xf32, #tpu.memory_space<hbm>> -> memref<64x128xf32, #tpu.memory_space<hbm>>
        %dma_wait3A_700 = arith.constant 0 : i32
        %dma_wait3A_701 = tpu.memref_slice %arg4[%mul3A_692, %dma_wait3A_700] : memref<3276800x128xf32, #tpu.memory_space<hbm>> -> memref<64x128xf32, #tpu.memory_space<hbm>>
        %dma_wait3A_702 = arith.constant 0 : i32
        %dma_wait3A_703 = arith.constant 0 : i32
        %dma_wait3A_704 = tpu.memref_slice %arg6[%dma_wait3A_693, %dma_wait3A_702, %dma_wait3A_703] : memref<10x64x128xf32, #tpu.memory_space<vmem>> -> memref<1x64x128xf32, #tpu.memory_space<vmem>>
        %dma_wait3A_705 = tpu.memref_squeeze %dma_wait3A_704 : memref<1x64x128xf32, #tpu.memory_space<vmem>> -> memref<64x128xf32, #tpu.memory_space<vmem>>
        tpu.wait_dma2 semaphore(%arg23 : memref<!tpu.dma_semaphore, #tpu.memory_space<semaphore_mem>>) src(%dma_wait3A_705 : memref<64x128xf32, #tpu.memory_space<vmem>>) dst(%dma_wait3A_701 : memref<64x128xf32, #tpu.memory_space<hbm>>)
      } else {
      }
      %add3A_286 = arith.constant 4 : i32
      %add3A_287 = arith.addi %mul3A_209, %add3A_286 : i32
      %dma_start3A_288 = arith.constant 4 : i32
      %dma_start3A_289 = arith.constant 0 : i32
      %dma_start3A_290 = arith.constant 0 : i32
      %dma_start3A_291 = tpu.memref_slice %arg6[%dma_start3A_288, %dma_start3A_289, %dma_start3A_290] : memref<10x64x128xf32, #tpu.memory_space<vmem>> -> memref<1x64x128xf32, #tpu.memory_space<vmem>>
      %dma_start3A_292 = tpu.memref_squeeze %dma_start3A_291 : memref<1x64x128xf32, #tpu.memory_space<vmem>> -> memref<64x128xf32, #tpu.memory_space<vmem>>
      %dma_start3A_293 = arith.constant 0 : i32
      %dma_start3A_294 = tpu.memref_slice %arg5[%rem3A_198, %add3A_287, %dma_start3A_293] : memref<2x80x64xi32, #tpu.memory_space<vmem>> -> memref<1x1x64xi32, #tpu.memory_space<vmem>>
      %dma_start3A_295 = tpu.memref_squeeze %dma_start3A_294 : memref<1x1x64xi32, #tpu.memory_space<vmem>> -> memref<64xi32, #tpu.memory_space<vmem>>
      %dma_start3A_296 = arith.constant 0 : i32
      %dma_start3A_297 = arith.constant 0 : i32
      %dma_start3A_298 = tpu.memref_slice %arg7[%dma_start3A_296, %dma_start3A_297] : memref<32x128xf32, #tpu.memory_space<vmem_shared>> -> memref<32x128xf32, #tpu.memory_space<vmem_shared>>
      tpu.enqueue_indirect_dma source(%dma_start3A_298 : memref<32x128xf32, #tpu.memory_space<vmem_shared>>) target(%dma_start3A_292 : memref<64x128xf32, #tpu.memory_space<vmem>>) offsets(%dma_start3A_295 : memref<64xi32, #tpu.memory_space<vmem>>) semaphore(%arg13 : memref<!tpu.dma_semaphore, #tpu.memory_space<semaphore_mem>>)
      %gt3A_299 = arith.constant 0 : i32
      %gt3A_300 = arith.cmpi sgt, %scan3A_193, %gt3A_299 : i32
      %convert_element_type3A_301 = arith.extui %gt3A_300 : i1 to i32
      %cond3A_302 = arith.constant 0 : i32
      %cond3A_303 = arith.cmpi ne, %convert_element_type3A_301, %cond3A_302 : i32
      scf.if %cond3A_303 {
        %add3A_689 = arith.constant 5 : i32
        %add3A_690 = arith.addi %add3A_196, %add3A_689 : i32
        %mul3A_691 = arith.constant 64 : i32
        %mul3A_692 = arith.muli %add3A_690, %mul3A_691 : i32
        %dma_wait3A_693 = arith.constant 5 : i32
        %dma_wait3A_694 = arith.constant 0 : i32
        %dma_wait3A_695 = arith.constant 0 : i32
        %dma_wait3A_696 = tpu.memref_slice %arg6[%dma_wait3A_693, %dma_wait3A_694, %dma_wait3A_695] : memref<10x64x128xf32, #tpu.memory_space<vmem>> -> memref<1x64x128xf32, #tpu.memory_space<vmem>>
        %dma_wait3A_697 = tpu.memref_squeeze %dma_wait3A_696 : memref<1x64x128xf32, #tpu.memory_space<vmem>> -> memref<64x128xf32, #tpu.memory_space<vmem>>
        %dma_wait3A_698 = arith.constant 0 : i32
        %dma_wait3A_699 = tpu.memref_slice %arg4[%mul3A_692, %dma_wait3A_698] : memref<3276800x128xf32, #tpu.memory_space<hbm>> -> memref<64x128xf32, #tpu.memory_space<hbm>>
        %dma_wait3A_700 = arith.constant 0 : i32
        %dma_wait3A_701 = tpu.memref_slice %arg4[%mul3A_692, %dma_wait3A_700] : memref<3276800x128xf32, #tpu.memory_space<hbm>> -> memref<64x128xf32, #tpu.memory_space<hbm>>
        %dma_wait3A_702 = arith.constant 0 : i32
        %dma_wait3A_703 = arith.constant 0 : i32
        %dma_wait3A_704 = tpu.memref_slice %arg6[%dma_wait3A_693, %dma_wait3A_702, %dma_wait3A_703] : memref<10x64x128xf32, #tpu.memory_space<vmem>> -> memref<1x64x128xf32, #tpu.memory_space<vmem>>
        %dma_wait3A_705 = tpu.memref_squeeze %dma_wait3A_704 : memref<1x64x128xf32, #tpu.memory_space<vmem>> -> memref<64x128xf32, #tpu.memory_space<vmem>>
        tpu.wait_dma2 semaphore(%arg24 : memref<!tpu.dma_semaphore, #tpu.memory_space<semaphore_mem>>) src(%dma_wait3A_705 : memref<64x128xf32, #tpu.memory_space<vmem>>) dst(%dma_wait3A_701 : memref<64x128xf32, #tpu.memory_space<hbm>>)
      } else {
      }
      %add3A_304 = arith.constant 5 : i32
      %add3A_305 = arith.addi %mul3A_209, %add3A_304 : i32
      %dma_start3A_306 = arith.constant 5 : i32
      %dma_start3A_307 = arith.constant 0 : i32
      %dma_start3A_308 = arith.constant 0 : i32
      %dma_start3A_309 = tpu.memref_slice %arg6[%dma_start3A_306, %dma_start3A_307, %dma_start3A_308] : memref<10x64x128xf32, #tpu.memory_space<vmem>> -> memref<1x64x128xf32, #tpu.memory_space<vmem>>
      %dma_start3A_310 = tpu.memref_squeeze %dma_start3A_309 : memref<1x64x128xf32, #tpu.memory_space<vmem>> -> memref<64x128xf32, #tpu.memory_space<vmem>>
      %dma_start3A_311 = arith.constant 0 : i32
      %dma_start3A_312 = tpu.memref_slice %arg5[%rem3A_198, %add3A_305, %dma_start3A_311] : memref<2x80x64xi32, #tpu.memory_space<vmem>> -> memref<1x1x64xi32, #tpu.memory_space<vmem>>
      %dma_start3A_313 = tpu.memref_squeeze %dma_start3A_312 : memref<1x1x64xi32, #tpu.memory_space<vmem>> -> memref<64xi32, #tpu.memory_space<vmem>>
      %dma_start3A_314 = arith.constant 0 : i32
      %dma_start3A_315 = arith.constant 0 : i32
      %dma_start3A_316 = tpu.memref_slice %arg7[%dma_start3A_314, %dma_start3A_315] : memref<32x128xf32, #tpu.memory_space<vmem_shared>> -> memref<32x128xf32, #tpu.memory_space<vmem_shared>>
      tpu.enqueue_indirect_dma source(%dma_start3A_316 : memref<32x128xf32, #tpu.memory_space<vmem_shared>>) target(%dma_start3A_310 : memref<64x128xf32, #tpu.memory_space<vmem>>) offsets(%dma_start3A_313 : memref<64xi32, #tpu.memory_space<vmem>>) semaphore(%arg14 : memref<!tpu.dma_semaphore, #tpu.memory_space<semaphore_mem>>)
      %gt3A_317 = arith.constant 0 : i32
      %gt3A_318 = arith.cmpi sgt, %scan3A_193, %gt3A_317 : i32
      %convert_element_type3A_319 = arith.extui %gt3A_318 : i1 to i32
      %cond3A_320 = arith.constant 0 : i32
      %cond3A_321 = arith.cmpi ne, %convert_element_type3A_319, %cond3A_320 : i32
      scf.if %cond3A_321 {
        %add3A_689 = arith.constant 6 : i32
        %add3A_690 = arith.addi %add3A_196, %add3A_689 : i32
        %mul3A_691 = arith.constant 64 : i32
        %mul3A_692 = arith.muli %add3A_690, %mul3A_691 : i32
        %dma_wait3A_693 = arith.constant 6 : i32
        %dma_wait3A_694 = arith.constant 0 : i32
        %dma_wait3A_695 = arith.constant 0 : i32
        %dma_wait3A_696 = tpu.memref_slice %arg6[%dma_wait3A_693, %dma_wait3A_694, %dma_wait3A_695] : memref<10x64x128xf32, #tpu.memory_space<vmem>> -> memref<1x64x128xf32, #tpu.memory_space<vmem>>
        %dma_wait3A_697 = tpu.memref_squeeze %dma_wait3A_696 : memref<1x64x128xf32, #tpu.memory_space<vmem>> -> memref<64x128xf32, #tpu.memory_space<vmem>>
        %dma_wait3A_698 = arith.constant 0 : i32
        %dma_wait3A_699 = tpu.memref_slice %arg4[%mul3A_692, %dma_wait3A_698] : memref<3276800x128xf32, #tpu.memory_space<hbm>> -> memref<64x128xf32, #tpu.memory_space<hbm>>
        %dma_wait3A_700 = arith.constant 0 : i32
        %dma_wait3A_701 = tpu.memref_slice %arg4[%mul3A_692, %dma_wait3A_700] : memref<3276800x128xf32, #tpu.memory_space<hbm>> -> memref<64x128xf32, #tpu.memory_space<hbm>>
        %dma_wait3A_702 = arith.constant 0 : i32
        %dma_wait3A_703 = arith.constant 0 : i32
        %dma_wait3A_704 = tpu.memref_slice %arg6[%dma_wait3A_693, %dma_wait3A_702, %dma_wait3A_703] : memref<10x64x128xf32, #tpu.memory_space<vmem>> -> memref<1x64x128xf32, #tpu.memory_space<vmem>>
        %dma_wait3A_705 = tpu.memref_squeeze %dma_wait3A_704 : memref<1x64x128xf32, #tpu.memory_space<vmem>> -> memref<64x128xf32, #tpu.memory_space<vmem>>
        tpu.wait_dma2 semaphore(%arg25 : memref<!tpu.dma_semaphore, #tpu.memory_space<semaphore_mem>>) src(%dma_wait3A_705 : memref<64x128xf32, #tpu.memory_space<vmem>>) dst(%dma_wait3A_701 : memref<64x128xf32, #tpu.memory_space<hbm>>)
      } else {
      }
      %add3A_322 = arith.constant 6 : i32
      %add3A_323 = arith.addi %mul3A_209, %add3A_322 : i32
      %dma_start3A_324 = arith.constant 6 : i32
      %dma_start3A_325 = arith.constant 0 : i32
      %dma_start3A_326 = arith.constant 0 : i32
      %dma_start3A_327 = tpu.memref_slice %arg6[%dma_start3A_324, %dma_start3A_325, %dma_start3A_326] : memref<10x64x128xf32, #tpu.memory_space<vmem>> -> memref<1x64x128xf32, #tpu.memory_space<vmem>>
      %dma_start3A_328 = tpu.memref_squeeze %dma_start3A_327 : memref<1x64x128xf32, #tpu.memory_space<vmem>> -> memref<64x128xf32, #tpu.memory_space<vmem>>
      %dma_start3A_329 = arith.constant 0 : i32
      %dma_start3A_330 = tpu.memref_slice %arg5[%rem3A_198, %add3A_323, %dma_start3A_329] : memref<2x80x64xi32, #tpu.memory_space<vmem>> -> memref<1x1x64xi32, #tpu.memory_space<vmem>>
      %dma_start3A_331 = tpu.memref_squeeze %dma_start3A_330 : memref<1x1x64xi32, #tpu.memory_space<vmem>> -> memref<64xi32, #tpu.memory_space<vmem>>
      %dma_start3A_332 = arith.constant 0 : i32
      %dma_start3A_333 = arith.constant 0 : i32
      %dma_start3A_334 = tpu.memref_slice %arg7[%dma_start3A_332, %dma_start3A_333] : memref<32x128xf32, #tpu.memory_space<vmem_shared>> -> memref<32x128xf32, #tpu.memory_space<vmem_shared>>
      tpu.enqueue_indirect_dma source(%dma_start3A_334 : memref<32x128xf32, #tpu.memory_space<vmem_shared>>) target(%dma_start3A_328 : memref<64x128xf32, #tpu.memory_space<vmem>>) offsets(%dma_start3A_331 : memref<64xi32, #tpu.memory_space<vmem>>) semaphore(%arg15 : memref<!tpu.dma_semaphore, #tpu.memory_space<semaphore_mem>>)
      %gt3A_335 = arith.constant 0 : i32
      %gt3A_336 = arith.cmpi sgt, %scan3A_193, %gt3A_335 : i32
      %convert_element_type3A_337 = arith.extui %gt3A_336 : i1 to i32
      %cond3A_338 = arith.constant 0 : i32
      %cond3A_339 = arith.cmpi ne, %convert_element_type3A_337, %cond3A_338 : i32
      scf.if %cond3A_339 {
        %add3A_689 = arith.constant 7 : i32
        %add3A_690 = arith.addi %add3A_196, %add3A_689 : i32
        %mul3A_691 = arith.constant 64 : i32
        %mul3A_692 = arith.muli %add3A_690, %mul3A_691 : i32
        %dma_wait3A_693 = arith.constant 7 : i32
        %dma_wait3A_694 = arith.constant 0 : i32
        %dma_wait3A_695 = arith.constant 0 : i32
        %dma_wait3A_696 = tpu.memref_slice %arg6[%dma_wait3A_693, %dma_wait3A_694, %dma_wait3A_695] : memref<10x64x128xf32, #tpu.memory_space<vmem>> -> memref<1x64x128xf32, #tpu.memory_space<vmem>>
        %dma_wait3A_697 = tpu.memref_squeeze %dma_wait3A_696 : memref<1x64x128xf32, #tpu.memory_space<vmem>> -> memref<64x128xf32, #tpu.memory_space<vmem>>
        %dma_wait3A_698 = arith.constant 0 : i32
        %dma_wait3A_699 = tpu.memref_slice %arg4[%mul3A_692, %dma_wait3A_698] : memref<3276800x128xf32, #tpu.memory_space<hbm>> -> memref<64x128xf32, #tpu.memory_space<hbm>>
        %dma_wait3A_700 = arith.constant 0 : i32
        %dma_wait3A_701 = tpu.memref_slice %arg4[%mul3A_692, %dma_wait3A_700] : memref<3276800x128xf32, #tpu.memory_space<hbm>> -> memref<64x128xf32, #tpu.memory_space<hbm>>
        %dma_wait3A_702 = arith.constant 0 : i32
        %dma_wait3A_703 = arith.constant 0 : i32
        %dma_wait3A_704 = tpu.memref_slice %arg6[%dma_wait3A_693, %dma_wait3A_702, %dma_wait3A_703] : memref<10x64x128xf32, #tpu.memory_space<vmem>> -> memref<1x64x128xf32, #tpu.memory_space<vmem>>
        %dma_wait3A_705 = tpu.memref_squeeze %dma_wait3A_704 : memref<1x64x128xf32, #tpu.memory_space<vmem>> -> memref<64x128xf32, #tpu.memory_space<vmem>>
        tpu.wait_dma2 semaphore(%arg26 : memref<!tpu.dma_semaphore, #tpu.memory_space<semaphore_mem>>) src(%dma_wait3A_705 : memref<64x128xf32, #tpu.memory_space<vmem>>) dst(%dma_wait3A_701 : memref<64x128xf32, #tpu.memory_space<hbm>>)
      } else {
      }
      %add3A_340 = arith.constant 7 : i32
      %add3A_341 = arith.addi %mul3A_209, %add3A_340 : i32
      %dma_start3A_342 = arith.constant 7 : i32
      %dma_start3A_343 = arith.constant 0 : i32
      %dma_start3A_344 = arith.constant 0 : i32
      %dma_start3A_345 = tpu.memref_slice %arg6[%dma_start3A_342, %dma_start3A_343, %dma_start3A_344] : memref<10x64x128xf32, #tpu.memory_space<vmem>> -> memref<1x64x128xf32, #tpu.memory_space<vmem>>
      %dma_start3A_346 = tpu.memref_squeeze %dma_start3A_345 : memref<1x64x128xf32, #tpu.memory_space<vmem>> -> memref<64x128xf32, #tpu.memory_space<vmem>>
      %dma_start3A_347 = arith.constant 0 : i32
      %dma_start3A_348 = tpu.memref_slice %arg5[%rem3A_198, %add3A_341, %dma_start3A_347] : memref<2x80x64xi32, #tpu.memory_space<vmem>> -> memref<1x1x64xi32, #tpu.memory_space<vmem>>
      %dma_start3A_349 = tpu.memref_squeeze %dma_start3A_348 : memref<1x1x64xi32, #tpu.memory_space<vmem>> -> memref<64xi32, #tpu.memory_space<vmem>>
      %dma_start3A_350 = arith.constant 0 : i32
      %dma_start3A_351 = arith.constant 0 : i32
      %dma_start3A_352 = tpu.memref_slice %arg7[%dma_start3A_350, %dma_start3A_351] : memref<32x128xf32, #tpu.memory_space<vmem_shared>> -> memref<32x128xf32, #tpu.memory_space<vmem_shared>>
      tpu.enqueue_indirect_dma source(%dma_start3A_352 : memref<32x128xf32, #tpu.memory_space<vmem_shared>>) target(%dma_start3A_346 : memref<64x128xf32, #tpu.memory_space<vmem>>) offsets(%dma_start3A_349 : memref<64xi32, #tpu.memory_space<vmem>>) semaphore(%arg16 : memref<!tpu.dma_semaphore, #tpu.memory_space<semaphore_mem>>)
      %gt3A_353 = arith.constant 0 : i32
      %gt3A_354 = arith.cmpi sgt, %scan3A_193, %gt3A_353 : i32
      %convert_element_type3A_355 = arith.extui %gt3A_354 : i1 to i32
      %cond3A_356 = arith.constant 0 : i32
      %cond3A_357 = arith.cmpi ne, %convert_element_type3A_355, %cond3A_356 : i32
      scf.if %cond3A_357 {
        %add3A_689 = arith.constant 8 : i32
        %add3A_690 = arith.addi %add3A_196, %add3A_689 : i32
        %mul3A_691 = arith.constant 64 : i32
        %mul3A_692 = arith.muli %add3A_690, %mul3A_691 : i32
        %dma_wait3A_693 = arith.constant 8 : i32
        %dma_wait3A_694 = arith.constant 0 : i32
        %dma_wait3A_695 = arith.constant 0 : i32
        %dma_wait3A_696 = tpu.memref_slice %arg6[%dma_wait3A_693, %dma_wait3A_694, %dma_wait3A_695] : memref<10x64x128xf32, #tpu.memory_space<vmem>> -> memref<1x64x128xf32, #tpu.memory_space<vmem>>
        %dma_wait3A_697 = tpu.memref_squeeze %dma_wait3A_696 : memref<1x64x128xf32, #tpu.memory_space<vmem>> -> memref<64x128xf32, #tpu.memory_space<vmem>>
        %dma_wait3A_698 = arith.constant 0 : i32
        %dma_wait3A_699 = tpu.memref_slice %arg4[%mul3A_692, %dma_wait3A_698] : memref<3276800x128xf32, #tpu.memory_space<hbm>> -> memref<64x128xf32, #tpu.memory_space<hbm>>
        %dma_wait3A_700 = arith.constant 0 : i32
        %dma_wait3A_701 = tpu.memref_slice %arg4[%mul3A_692, %dma_wait3A_700] : memref<3276800x128xf32, #tpu.memory_space<hbm>> -> memref<64x128xf32, #tpu.memory_space<hbm>>
        %dma_wait3A_702 = arith.constant 0 : i32
        %dma_wait3A_703 = arith.constant 0 : i32
        %dma_wait3A_704 = tpu.memref_slice %arg6[%dma_wait3A_693, %dma_wait3A_702, %dma_wait3A_703] : memref<10x64x128xf32, #tpu.memory_space<vmem>> -> memref<1x64x128xf32, #tpu.memory_space<vmem>>
        %dma_wait3A_705 = tpu.memref_squeeze %dma_wait3A_704 : memref<1x64x128xf32, #tpu.memory_space<vmem>> -> memref<64x128xf32, #tpu.memory_space<vmem>>
        tpu.wait_dma2 semaphore(%arg27 : memref<!tpu.dma_semaphore, #tpu.memory_space<semaphore_mem>>) src(%dma_wait3A_705 : memref<64x128xf32, #tpu.memory_space<vmem>>) dst(%dma_wait3A_701 : memref<64x128xf32, #tpu.memory_space<hbm>>)
      } else {
      }
      %add3A_358 = arith.constant 8 : i32
      %add3A_359 = arith.addi %mul3A_209, %add3A_358 : i32
      %dma_start3A_360 = arith.constant 8 : i32
      %dma_start3A_361 = arith.constant 0 : i32
      %dma_start3A_362 = arith.constant 0 : i32
      %dma_start3A_363 = tpu.memref_slice %arg6[%dma_start3A_360, %dma_start3A_361, %dma_start3A_362] : memref<10x64x128xf32, #tpu.memory_space<vmem>> -> memref<1x64x128xf32, #tpu.memory_space<vmem>>
      %dma_start3A_364 = tpu.memref_squeeze %dma_start3A_363 : memref<1x64x128xf32, #tpu.memory_space<vmem>> -> memref<64x128xf32, #tpu.memory_space<vmem>>
      %dma_start3A_365 = arith.constant 0 : i32
      %dma_start3A_366 = tpu.memref_slice %arg5[%rem3A_198, %add3A_359, %dma_start3A_365] : memref<2x80x64xi32, #tpu.memory_space<vmem>> -> memref<1x1x64xi32, #tpu.memory_space<vmem>>
      %dma_start3A_367 = tpu.memref_squeeze %dma_start3A_366 : memref<1x1x64xi32, #tpu.memory_space<vmem>> -> memref<64xi32, #tpu.memory_space<vmem>>
      %dma_start3A_368 = arith.constant 0 : i32
      %dma_start3A_369 = arith.constant 0 : i32
      %dma_start3A_370 = tpu.memref_slice %arg7[%dma_start3A_368, %dma_start3A_369] : memref<32x128xf32, #tpu.memory_space<vmem_shared>> -> memref<32x128xf32, #tpu.memory_space<vmem_shared>>
      tpu.enqueue_indirect_dma source(%dma_start3A_370 : memref<32x128xf32, #tpu.memory_space<vmem_shared>>) target(%dma_start3A_364 : memref<64x128xf32, #tpu.memory_space<vmem>>) offsets(%dma_start3A_367 : memref<64xi32, #tpu.memory_space<vmem>>) semaphore(%arg17 : memref<!tpu.dma_semaphore, #tpu.memory_space<semaphore_mem>>)
      %gt3A_371 = arith.constant 0 : i32
      %gt3A_372 = arith.cmpi sgt, %scan3A_193, %gt3A_371 : i32
      %convert_element_type3A_373 = arith.extui %gt3A_372 : i1 to i32
      %cond3A_374 = arith.constant 0 : i32
      %cond3A_375 = arith.cmpi ne, %convert_element_type3A_373, %cond3A_374 : i32
      scf.if %cond3A_375 {
        %add3A_689 = arith.constant 9 : i32
        %add3A_690 = arith.addi %add3A_196, %add3A_689 : i32
        %mul3A_691 = arith.constant 64 : i32
        %mul3A_692 = arith.muli %add3A_690, %mul3A_691 : i32
        %dma_wait3A_693 = arith.constant 9 : i32
        %dma_wait3A_694 = arith.constant 0 : i32
        %dma_wait3A_695 = arith.constant 0 : i32
        %dma_wait3A_696 = tpu.memref_slice %arg6[%dma_wait3A_693, %dma_wait3A_694, %dma_wait3A_695] : memref<10x64x128xf32, #tpu.memory_space<vmem>> -> memref<1x64x128xf32, #tpu.memory_space<vmem>>
        %dma_wait3A_697 = tpu.memref_squeeze %dma_wait3A_696 : memref<1x64x128xf32, #tpu.memory_space<vmem>> -> memref<64x128xf32, #tpu.memory_space<vmem>>
        %dma_wait3A_698 = arith.constant 0 : i32
        %dma_wait3A_699 = tpu.memref_slice %arg4[%mul3A_692, %dma_wait3A_698] : memref<3276800x128xf32, #tpu.memory_space<hbm>> -> memref<64x128xf32, #tpu.memory_space<hbm>>
        %dma_wait3A_700 = arith.constant 0 : i32
        %dma_wait3A_701 = tpu.memref_slice %arg4[%mul3A_692, %dma_wait3A_700] : memref<3276800x128xf32, #tpu.memory_space<hbm>> -> memref<64x128xf32, #tpu.memory_space<hbm>>
        %dma_wait3A_702 = arith.constant 0 : i32
        %dma_wait3A_703 = arith.constant 0 : i32
        %dma_wait3A_704 = tpu.memref_slice %arg6[%dma_wait3A_693, %dma_wait3A_702, %dma_wait3A_703] : memref<10x64x128xf32, #tpu.memory_space<vmem>> -> memref<1x64x128xf32, #tpu.memory_space<vmem>>
        %dma_wait3A_705 = tpu.memref_squeeze %dma_wait3A_704 : memref<1x64x128xf32, #tpu.memory_space<vmem>> -> memref<64x128xf32, #tpu.memory_space<vmem>>
        tpu.wait_dma2 semaphore(%arg28 : memref<!tpu.dma_semaphore, #tpu.memory_space<semaphore_mem>>) src(%dma_wait3A_705 : memref<64x128xf32, #tpu.memory_space<vmem>>) dst(%dma_wait3A_701 : memref<64x128xf32, #tpu.memory_space<hbm>>)
      } else {
      }
      %add3A_376 = arith.constant 9 : i32
      %add3A_377 = arith.addi %mul3A_209, %add3A_376 : i32
      %dma_start3A_378 = arith.constant 9 : i32
      %dma_start3A_379 = arith.constant 0 : i32
      %dma_start3A_380 = arith.constant 0 : i32
      %dma_start3A_381 = tpu.memref_slice %arg6[%dma_start3A_378, %dma_start3A_379, %dma_start3A_380] : memref<10x64x128xf32, #tpu.memory_space<vmem>> -> memref<1x64x128xf32, #tpu.memory_space<vmem>>
      %dma_start3A_382 = tpu.memref_squeeze %dma_start3A_381 : memref<1x64x128xf32, #tpu.memory_space<vmem>> -> memref<64x128xf32, #tpu.memory_space<vmem>>
      %dma_start3A_383 = arith.constant 0 : i32
      %dma_start3A_384 = tpu.memref_slice %arg5[%rem3A_198, %add3A_377, %dma_start3A_383] : memref<2x80x64xi32, #tpu.memory_space<vmem>> -> memref<1x1x64xi32, #tpu.memory_space<vmem>>
      %dma_start3A_385 = tpu.memref_squeeze %dma_start3A_384 : memref<1x1x64xi32, #tpu.memory_space<vmem>> -> memref<64xi32, #tpu.memory_space<vmem>>
      %dma_start3A_386 = arith.constant 0 : i32
      %dma_start3A_387 = arith.constant 0 : i32
      %dma_start3A_388 = tpu.memref_slice %arg7[%dma_start3A_386, %dma_start3A_387] : memref<32x128xf32, #tpu.memory_space<vmem_shared>> -> memref<32x128xf32, #tpu.memory_space<vmem_shared>>
      tpu.enqueue_indirect_dma source(%dma_start3A_388 : memref<32x128xf32, #tpu.memory_space<vmem_shared>>) target(%dma_start3A_382 : memref<64x128xf32, #tpu.memory_space<vmem>>) offsets(%dma_start3A_385 : memref<64xi32, #tpu.memory_space<vmem>>) semaphore(%arg18 : memref<!tpu.dma_semaphore, #tpu.memory_space<semaphore_mem>>)
      %add3A_389 = arith.constant 0 : i32
      %add3A_390 = arith.addi %mul3A_209, %add3A_389 : i32
      %dma_wait3A_391 = arith.constant 0 : i32
      %dma_wait3A_392 = arith.constant 0 : i32
      %dma_wait3A_393 = arith.constant 0 : i32
      %dma_wait3A_394 = tpu.memref_slice %arg6[%dma_wait3A_391, %dma_wait3A_392, %dma_wait3A_393] : memref<10x64x128xf32, #tpu.memory_space<vmem>> -> memref<1x64x128xf32, #tpu.memory_space<vmem>>
      %dma_wait3A_395 = tpu.memref_squeeze %dma_wait3A_394 : memref<1x64x128xf32, #tpu.memory_space<vmem>> -> memref<64x128xf32, #tpu.memory_space<vmem>>
      %dma_wait3A_396 = arith.constant 0 : i32
      %dma_wait3A_397 = tpu.memref_slice %arg5[%rem3A_198, %add3A_390, %dma_wait3A_396] : memref<2x80x64xi32, #tpu.memory_space<vmem>> -> memref<1x1x64xi32, #tpu.memory_space<vmem>>
      %dma_wait3A_398 = tpu.memref_squeeze %dma_wait3A_397 : memref<1x1x64xi32, #tpu.memory_space<vmem>> -> memref<64xi32, #tpu.memory_space<vmem>>
      %dma_wait3A_399 = arith.constant 0 : i32
      %dma_wait3A_400 = arith.constant 0 : i32
      %dma_wait3A_401 = tpu.memref_slice %arg7[%dma_wait3A_399, %dma_wait3A_400] : memref<32x128xf32, #tpu.memory_space<vmem_shared>> -> memref<32x128xf32, #tpu.memory_space<vmem_shared>>
      tpu.wait_indirect_dma semaphore(%arg9 : memref<!tpu.dma_semaphore, #tpu.memory_space<semaphore_mem>>) src(%dma_wait3A_401 : memref<32x128xf32, #tpu.memory_space<vmem_shared>>) dst(%dma_wait3A_395 : memref<64x128xf32, #tpu.memory_space<vmem>>)
      %add3A_402 = arith.constant 0 : i32
      %add3A_403 = arith.addi %add3A_196, %add3A_402 : i32
      %mul3A_404 = arith.constant 64 : i32
      %mul3A_405 = arith.muli %add3A_403, %mul3A_404 : i32
      %dma_start3A_406 = arith.constant 0 : i32
      %dma_start3A_407 = arith.constant 0 : i32
      %dma_start3A_408 = arith.constant 0 : i32
      %dma_start3A_409 = tpu.memref_slice %arg6[%dma_start3A_406, %dma_start3A_407, %dma_start3A_408] : memref<10x64x128xf32, #tpu.memory_space<vmem>> -> memref<1x64x128xf32, #tpu.memory_space<vmem>>
      %dma_start3A_410 = tpu.memref_squeeze %dma_start3A_409 : memref<1x64x128xf32, #tpu.memory_space<vmem>> -> memref<64x128xf32, #tpu.memory_space<vmem>>
      %dma_start3A_411 = arith.constant 0 : i32
      %dma_start3A_412 = tpu.memref_slice %arg4[%mul3A_405, %dma_start3A_411] : memref<3276800x128xf32, #tpu.memory_space<hbm>> -> memref<64x128xf32, #tpu.memory_space<hbm>>
      %dma_start3A_413 = arith.constant 0 : i32
      %dma_start3A_414 = tpu.memref_slice %arg4[%mul3A_405, %dma_start3A_413] : memref<3276800x128xf32, #tpu.memory_space<hbm>> -> memref<64x128xf32, #tpu.memory_space<hbm>>
      %dma_start3A_415 = arith.constant 0 : i32
      %dma_start3A_416 = arith.constant 0 : i32
      %dma_start3A_417 = tpu.memref_slice %arg6[%dma_start3A_406, %dma_start3A_415, %dma_start3A_416] : memref<10x64x128xf32, #tpu.memory_space<vmem>> -> memref<1x64x128xf32, #tpu.memory_space<vmem>>
      %dma_start3A_418 = tpu.memref_squeeze %dma_start3A_417 : memref<1x64x128xf32, #tpu.memory_space<vmem>> -> memref<64x128xf32, #tpu.memory_space<vmem>>
      tpu.enqueue_dma source(%dma_start3A_418 : memref<64x128xf32, #tpu.memory_space<vmem>>) target(%dma_start3A_414 : memref<64x128xf32, #tpu.memory_space<hbm>>) target_semaphore(%arg19 : memref<!tpu.dma_semaphore, #tpu.memory_space<semaphore_mem>>)
      %add3A_419 = arith.constant 1 : i32
      %add3A_420 = arith.addi %mul3A_209, %add3A_419 : i32
      %dma_wait3A_421 = arith.constant 1 : i32
      %dma_wait3A_422 = arith.constant 0 : i32
      %dma_wait3A_423 = arith.constant 0 : i32
      %dma_wait3A_424 = tpu.memref_slice %arg6[%dma_wait3A_421, %dma_wait3A_422, %dma_wait3A_423] : memref<10x64x128xf32, #tpu.memory_space<vmem>> -> memref<1x64x128xf32, #tpu.memory_space<vmem>>
      %dma_wait3A_425 = tpu.memref_squeeze %dma_wait3A_424 : memref<1x64x128xf32, #tpu.memory_space<vmem>> -> memref<64x128xf32, #tpu.memory_space<vmem>>
      %dma_wait3A_426 = arith.constant 0 : i32
      %dma_wait3A_427 = tpu.memref_slice %arg5[%rem3A_198, %add3A_420, %dma_wait3A_426] : memref<2x80x64xi32, #tpu.memory_space<vmem>> -> memref<1x1x64xi32, #tpu.memory_space<vmem>>
      %dma_wait3A_428 = tpu.memref_squeeze %dma_wait3A_427 : memref<1x1x64xi32, #tpu.memory_space<vmem>> -> memref<64xi32, #tpu.memory_space<vmem>>
      %dma_wait3A_429 = arith.constant 0 : i32
      %dma_wait3A_430 = arith.constant 0 : i32
      %dma_wait3A_431 = tpu.memref_slice %arg7[%dma_wait3A_429, %dma_wait3A_430] : memref<32x128xf32, #tpu.memory_space<vmem_shared>> -> memref<32x128xf32, #tpu.memory_space<vmem_shared>>
      tpu.wait_indirect_dma semaphore(%arg10 : memref<!tpu.dma_semaphore, #tpu.memory_space<semaphore_mem>>) src(%dma_wait3A_431 : memref<32x128xf32, #tpu.memory_space<vmem_shared>>) dst(%dma_wait3A_425 : memref<64x128xf32, #tpu.memory_space<vmem>>)
      %add3A_432 = arith.constant 1 : i32
      %add3A_433 = arith.addi %add3A_196, %add3A_432 : i32
      %mul3A_434 = arith.constant 64 : i32
      %mul3A_435 = arith.muli %add3A_433, %mul3A_434 : i32
      %dma_start3A_436 = arith.constant 1 : i32
      %dma_start3A_437 = arith.constant 0 : i32
      %dma_start3A_438 = arith.constant 0 : i32
      %dma_start3A_439 = tpu.memref_slice %arg6[%dma_start3A_436, %dma_start3A_437, %dma_start3A_438] : memref<10x64x128xf32, #tpu.memory_space<vmem>> -> memref<1x64x128xf32, #tpu.memory_space<vmem>>
      %dma_start3A_440 = tpu.memref_squeeze %dma_start3A_439 : memref<1x64x128xf32, #tpu.memory_space<vmem>> -> memref<64x128xf32, #tpu.memory_space<vmem>>
      %dma_start3A_441 = arith.constant 0 : i32
      %dma_start3A_442 = tpu.memref_slice %arg4[%mul3A_435, %dma_start3A_441] : memref<3276800x128xf32, #tpu.memory_space<hbm>> -> memref<64x128xf32, #tpu.memory_space<hbm>>
      %dma_start3A_443 = arith.constant 0 : i32
      %dma_start3A_444 = tpu.memref_slice %arg4[%mul3A_435, %dma_start3A_443] : memref<3276800x128xf32, #tpu.memory_space<hbm>> -> memref<64x128xf32, #tpu.memory_space<hbm>>
      %dma_start3A_445 = arith.constant 0 : i32
      %dma_start3A_446 = arith.constant 0 : i32
      %dma_start3A_447 = tpu.memref_slice %arg6[%dma_start3A_436, %dma_start3A_445, %dma_start3A_446] : memref<10x64x128xf32, #tpu.memory_space<vmem>> -> memref<1x64x128xf32, #tpu.memory_space<vmem>>
      %dma_start3A_448 = tpu.memref_squeeze %dma_start3A_447 : memref<1x64x128xf32, #tpu.memory_space<vmem>> -> memref<64x128xf32, #tpu.memory_space<vmem>>
      tpu.enqueue_dma source(%dma_start3A_448 : memref<64x128xf32, #tpu.memory_space<vmem>>) target(%dma_start3A_444 : memref<64x128xf32, #tpu.memory_space<hbm>>) target_semaphore(%arg20 : memref<!tpu.dma_semaphore, #tpu.memory_space<semaphore_mem>>)
      %add3A_449 = arith.constant 2 : i32
      %add3A_450 = arith.addi %mul3A_209, %add3A_449 : i32
      %dma_wait3A_451 = arith.constant 2 : i32
      %dma_wait3A_452 = arith.constant 0 : i32
      %dma_wait3A_453 = arith.constant 0 : i32
      %dma_wait3A_454 = tpu.memref_slice %arg6[%dma_wait3A_451, %dma_wait3A_452, %dma_wait3A_453] : memref<10x64x128xf32, #tpu.memory_space<vmem>> -> memref<1x64x128xf32, #tpu.memory_space<vmem>>
      %dma_wait3A_455 = tpu.memref_squeeze %dma_wait3A_454 : memref<1x64x128xf32, #tpu.memory_space<vmem>> -> memref<64x128xf32, #tpu.memory_space<vmem>>
      %dma_wait3A_456 = arith.constant 0 : i32
      %dma_wait3A_457 = tpu.memref_slice %arg5[%rem3A_198, %add3A_450, %dma_wait3A_456] : memref<2x80x64xi32, #tpu.memory_space<vmem>> -> memref<1x1x64xi32, #tpu.memory_space<vmem>>
      %dma_wait3A_458 = tpu.memref_squeeze %dma_wait3A_457 : memref<1x1x64xi32, #tpu.memory_space<vmem>> -> memref<64xi32, #tpu.memory_space<vmem>>
      %dma_wait3A_459 = arith.constant 0 : i32
      %dma_wait3A_460 = arith.constant 0 : i32
      %dma_wait3A_461 = tpu.memref_slice %arg7[%dma_wait3A_459, %dma_wait3A_460] : memref<32x128xf32, #tpu.memory_space<vmem_shared>> -> memref<32x128xf32, #tpu.memory_space<vmem_shared>>
      tpu.wait_indirect_dma semaphore(%arg11 : memref<!tpu.dma_semaphore, #tpu.memory_space<semaphore_mem>>) src(%dma_wait3A_461 : memref<32x128xf32, #tpu.memory_space<vmem_shared>>) dst(%dma_wait3A_455 : memref<64x128xf32, #tpu.memory_space<vmem>>)
      %add3A_462 = arith.constant 2 : i32
      %add3A_463 = arith.addi %add3A_196, %add3A_462 : i32
      %mul3A_464 = arith.constant 64 : i32
      %mul3A_465 = arith.muli %add3A_463, %mul3A_464 : i32
      %dma_start3A_466 = arith.constant 2 : i32
      %dma_start3A_467 = arith.constant 0 : i32
      %dma_start3A_468 = arith.constant 0 : i32
      %dma_start3A_469 = tpu.memref_slice %arg6[%dma_start3A_466, %dma_start3A_467, %dma_start3A_468] : memref<10x64x128xf32, #tpu.memory_space<vmem>> -> memref<1x64x128xf32, #tpu.memory_space<vmem>>
      %dma_start3A_470 = tpu.memref_squeeze %dma_start3A_469 : memref<1x64x128xf32, #tpu.memory_space<vmem>> -> memref<64x128xf32, #tpu.memory_space<vmem>>
      %dma_start3A_471 = arith.constant 0 : i32
      %dma_start3A_472 = tpu.memref_slice %arg4[%mul3A_465, %dma_start3A_471] : memref<3276800x128xf32, #tpu.memory_space<hbm>> -> memref<64x128xf32, #tpu.memory_space<hbm>>
      %dma_start3A_473 = arith.constant 0 : i32
      %dma_start3A_474 = tpu.memref_slice %arg4[%mul3A_465, %dma_start3A_473] : memref<3276800x128xf32, #tpu.memory_space<hbm>> -> memref<64x128xf32, #tpu.memory_space<hbm>>
      %dma_start3A_475 = arith.constant 0 : i32
      %dma_start3A_476 = arith.constant 0 : i32
      %dma_start3A_477 = tpu.memref_slice %arg6[%dma_start3A_466, %dma_start3A_475, %dma_start3A_476] : memref<10x64x128xf32, #tpu.memory_space<vmem>> -> memref<1x64x128xf32, #tpu.memory_space<vmem>>
      %dma_start3A_478 = tpu.memref_squeeze %dma_start3A_477 : memref<1x64x128xf32, #tpu.memory_space<vmem>> -> memref<64x128xf32, #tpu.memory_space<vmem>>
      tpu.enqueue_dma source(%dma_start3A_478 : memref<64x128xf32, #tpu.memory_space<vmem>>) target(%dma_start3A_474 : memref<64x128xf32, #tpu.memory_space<hbm>>) target_semaphore(%arg21 : memref<!tpu.dma_semaphore, #tpu.memory_space<semaphore_mem>>)
      %add3A_479 = arith.constant 3 : i32
      %add3A_480 = arith.addi %mul3A_209, %add3A_479 : i32
      %dma_wait3A_481 = arith.constant 3 : i32
      %dma_wait3A_482 = arith.constant 0 : i32
      %dma_wait3A_483 = arith.constant 0 : i32
      %dma_wait3A_484 = tpu.memref_slice %arg6[%dma_wait3A_481, %dma_wait3A_482, %dma_wait3A_483] : memref<10x64x128xf32, #tpu.memory_space<vmem>> -> memref<1x64x128xf32, #tpu.memory_space<vmem>>
      %dma_wait3A_485 = tpu.memref_squeeze %dma_wait3A_484 : memref<1x64x128xf32, #tpu.memory_space<vmem>> -> memref<64x128xf32, #tpu.memory_space<vmem>>
      %dma_wait3A_486 = arith.constant 0 : i32
      %dma_wait3A_487 = tpu.memref_slice %arg5[%rem3A_198, %add3A_480, %dma_wait3A_486] : memref<2x80x64xi32, #tpu.memory_space<vmem>> -> memref<1x1x64xi32, #tpu.memory_space<vmem>>
      %dma_wait3A_488 = tpu.memref_squeeze %dma_wait3A_487 : memref<1x1x64xi32, #tpu.memory_space<vmem>> -> memref<64xi32, #tpu.memory_space<vmem>>
      %dma_wait3A_489 = arith.constant 0 : i32
      %dma_wait3A_490 = arith.constant 0 : i32
      %dma_wait3A_491 = tpu.memref_slice %arg7[%dma_wait3A_489, %dma_wait3A_490] : memref<32x128xf32, #tpu.memory_space<vmem_shared>> -> memref<32x128xf32, #tpu.memory_space<vmem_shared>>
      tpu.wait_indirect_dma semaphore(%arg12 : memref<!tpu.dma_semaphore, #tpu.memory_space<semaphore_mem>>) src(%dma_wait3A_491 : memref<32x128xf32, #tpu.memory_space<vmem_shared>>) dst(%dma_wait3A_485 : memref<64x128xf32, #tpu.memory_space<vmem>>)
      %add3A_492 = arith.constant 3 : i32
      %add3A_493 = arith.addi %add3A_196, %add3A_492 : i32
      %mul3A_494 = arith.constant 64 : i32
      %mul3A_495 = arith.muli %add3A_493, %mul3A_494 : i32
      %dma_start3A_496 = arith.constant 3 : i32
      %dma_start3A_497 = arith.constant 0 : i32
      %dma_start3A_498 = arith.constant 0 : i32
      %dma_start3A_499 = tpu.memref_slice %arg6[%dma_start3A_496, %dma_start3A_497, %dma_start3A_498] : memref<10x64x128xf32, #tpu.memory_space<vmem>> -> memref<1x64x128xf32, #tpu.memory_space<vmem>>
      %dma_start3A_500 = tpu.memref_squeeze %dma_start3A_499 : memref<1x64x128xf32, #tpu.memory_space<vmem>> -> memref<64x128xf32, #tpu.memory_space<vmem>>
      %dma_start3A_501 = arith.constant 0 : i32
      %dma_start3A_502 = tpu.memref_slice %arg4[%mul3A_495, %dma_start3A_501] : memref<3276800x128xf32, #tpu.memory_space<hbm>> -> memref<64x128xf32, #tpu.memory_space<hbm>>
      %dma_start3A_503 = arith.constant 0 : i32
      %dma_start3A_504 = tpu.memref_slice %arg4[%mul3A_495, %dma_start3A_503] : memref<3276800x128xf32, #tpu.memory_space<hbm>> -> memref<64x128xf32, #tpu.memory_space<hbm>>
      %dma_start3A_505 = arith.constant 0 : i32
      %dma_start3A_506 = arith.constant 0 : i32
      %dma_start3A_507 = tpu.memref_slice %arg6[%dma_start3A_496, %dma_start3A_505, %dma_start3A_506] : memref<10x64x128xf32, #tpu.memory_space<vmem>> -> memref<1x64x128xf32, #tpu.memory_space<vmem>>
      %dma_start3A_508 = tpu.memref_squeeze %dma_start3A_507 : memref<1x64x128xf32, #tpu.memory_space<vmem>> -> memref<64x128xf32, #tpu.memory_space<vmem>>
      tpu.enqueue_dma source(%dma_start3A_508 : memref<64x128xf32, #tpu.memory_space<vmem>>) target(%dma_start3A_504 : memref<64x128xf32, #tpu.memory_space<hbm>>) target_semaphore(%arg22 : memref<!tpu.dma_semaphore, #tpu.memory_space<semaphore_mem>>)
      %add3A_509 = arith.constant 4 : i32
      %add3A_510 = arith.addi %mul3A_209, %add3A_509 : i32
      %dma_wait3A_511 = arith.constant 4 : i32
      %dma_wait3A_512 = arith.constant 0 : i32
      %dma_wait3A_513 = arith.constant 0 : i32
      %dma_wait3A_514 = tpu.memref_slice %arg6[%dma_wait3A_511, %dma_wait3A_512, %dma_wait3A_513] : memref<10x64x128xf32, #tpu.memory_space<vmem>> -> memref<1x64x128xf32, #tpu.memory_space<vmem>>
      %dma_wait3A_515 = tpu.memref_squeeze %dma_wait3A_514 : memref<1x64x128xf32, #tpu.memory_space<vmem>> -> memref<64x128xf32, #tpu.memory_space<vmem>>
      %dma_wait3A_516 = arith.constant 0 : i32
      %dma_wait3A_517 = tpu.memref_slice %arg5[%rem3A_198, %add3A_510, %dma_wait3A_516] : memref<2x80x64xi32, #tpu.memory_space<vmem>> -> memref<1x1x64xi32, #tpu.memory_space<vmem>>
      %dma_wait3A_518 = tpu.memref_squeeze %dma_wait3A_517 : memref<1x1x64xi32, #tpu.memory_space<vmem>> -> memref<64xi32, #tpu.memory_space<vmem>>
      %dma_wait3A_519 = arith.constant 0 : i32
      %dma_wait3A_520 = arith.constant 0 : i32
      %dma_wait3A_521 = tpu.memref_slice %arg7[%dma_wait3A_519, %dma_wait3A_520] : memref<32x128xf32, #tpu.memory_space<vmem_shared>> -> memref<32x128xf32, #tpu.memory_space<vmem_shared>>
      tpu.wait_indirect_dma semaphore(%arg13 : memref<!tpu.dma_semaphore, #tpu.memory_space<semaphore_mem>>) src(%dma_wait3A_521 : memref<32x128xf32, #tpu.memory_space<vmem_shared>>) dst(%dma_wait3A_515 : memref<64x128xf32, #tpu.memory_space<vmem>>)
      %add3A_522 = arith.constant 4 : i32
      %add3A_523 = arith.addi %add3A_196, %add3A_522 : i32
      %mul3A_524 = arith.constant 64 : i32
      %mul3A_525 = arith.muli %add3A_523, %mul3A_524 : i32
      %dma_start3A_526 = arith.constant 4 : i32
      %dma_start3A_527 = arith.constant 0 : i32
      %dma_start3A_528 = arith.constant 0 : i32
      %dma_start3A_529 = tpu.memref_slice %arg6[%dma_start3A_526, %dma_start3A_527, %dma_start3A_528] : memref<10x64x128xf32, #tpu.memory_space<vmem>> -> memref<1x64x128xf32, #tpu.memory_space<vmem>>
      %dma_start3A_530 = tpu.memref_squeeze %dma_start3A_529 : memref<1x64x128xf32, #tpu.memory_space<vmem>> -> memref<64x128xf32, #tpu.memory_space<vmem>>
      %dma_start3A_531 = arith.constant 0 : i32
      %dma_start3A_532 = tpu.memref_slice %arg4[%mul3A_525, %dma_start3A_531] : memref<3276800x128xf32, #tpu.memory_space<hbm>> -> memref<64x128xf32, #tpu.memory_space<hbm>>
      %dma_start3A_533 = arith.constant 0 : i32
      %dma_start3A_534 = tpu.memref_slice %arg4[%mul3A_525, %dma_start3A_533] : memref<3276800x128xf32, #tpu.memory_space<hbm>> -> memref<64x128xf32, #tpu.memory_space<hbm>>
      %dma_start3A_535 = arith.constant 0 : i32
      %dma_start3A_536 = arith.constant 0 : i32
      %dma_start3A_537 = tpu.memref_slice %arg6[%dma_start3A_526, %dma_start3A_535, %dma_start3A_536] : memref<10x64x128xf32, #tpu.memory_space<vmem>> -> memref<1x64x128xf32, #tpu.memory_space<vmem>>
      %dma_start3A_538 = tpu.memref_squeeze %dma_start3A_537 : memref<1x64x128xf32, #tpu.memory_space<vmem>> -> memref<64x128xf32, #tpu.memory_space<vmem>>
      tpu.enqueue_dma source(%dma_start3A_538 : memref<64x128xf32, #tpu.memory_space<vmem>>) target(%dma_start3A_534 : memref<64x128xf32, #tpu.memory_space<hbm>>) target_semaphore(%arg23 : memref<!tpu.dma_semaphore, #tpu.memory_space<semaphore_mem>>)
      %add3A_539 = arith.constant 5 : i32
      %add3A_540 = arith.addi %mul3A_209, %add3A_539 : i32
      %dma_wait3A_541 = arith.constant 5 : i32
      %dma_wait3A_542 = arith.constant 0 : i32
      %dma_wait3A_543 = arith.constant 0 : i32
      %dma_wait3A_544 = tpu.memref_slice %arg6[%dma_wait3A_541, %dma_wait3A_542, %dma_wait3A_543] : memref<10x64x128xf32, #tpu.memory_space<vmem>> -> memref<1x64x128xf32, #tpu.memory_space<vmem>>
      %dma_wait3A_545 = tpu.memref_squeeze %dma_wait3A_544 : memref<1x64x128xf32, #tpu.memory_space<vmem>> -> memref<64x128xf32, #tpu.memory_space<vmem>>
      %dma_wait3A_546 = arith.constant 0 : i32
      %dma_wait3A_547 = tpu.memref_slice %arg5[%rem3A_198, %add3A_540, %dma_wait3A_546] : memref<2x80x64xi32, #tpu.memory_space<vmem>> -> memref<1x1x64xi32, #tpu.memory_space<vmem>>
      %dma_wait3A_548 = tpu.memref_squeeze %dma_wait3A_547 : memref<1x1x64xi32, #tpu.memory_space<vmem>> -> memref<64xi32, #tpu.memory_space<vmem>>
      %dma_wait3A_549 = arith.constant 0 : i32
      %dma_wait3A_550 = arith.constant 0 : i32
      %dma_wait3A_551 = tpu.memref_slice %arg7[%dma_wait3A_549, %dma_wait3A_550] : memref<32x128xf32, #tpu.memory_space<vmem_shared>> -> memref<32x128xf32, #tpu.memory_space<vmem_shared>>
      tpu.wait_indirect_dma semaphore(%arg14 : memref<!tpu.dma_semaphore, #tpu.memory_space<semaphore_mem>>) src(%dma_wait3A_551 : memref<32x128xf32, #tpu.memory_space<vmem_shared>>) dst(%dma_wait3A_545 : memref<64x128xf32, #tpu.memory_space<vmem>>)
      %add3A_552 = arith.constant 5 : i32
      %add3A_553 = arith.addi %add3A_196, %add3A_552 : i32
      %mul3A_554 = arith.constant 64 : i32
      %mul3A_555 = arith.muli %add3A_553, %mul3A_554 : i32
      %dma_start3A_556 = arith.constant 5 : i32
      %dma_start3A_557 = arith.constant 0 : i32
      %dma_start3A_558 = arith.constant 0 : i32
      %dma_start3A_559 = tpu.memref_slice %arg6[%dma_start3A_556, %dma_start3A_557, %dma_start3A_558] : memref<10x64x128xf32, #tpu.memory_space<vmem>> -> memref<1x64x128xf32, #tpu.memory_space<vmem>>
      %dma_start3A_560 = tpu.memref_squeeze %dma_start3A_559 : memref<1x64x128xf32, #tpu.memory_space<vmem>> -> memref<64x128xf32, #tpu.memory_space<vmem>>
      %dma_start3A_561 = arith.constant 0 : i32
      %dma_start3A_562 = tpu.memref_slice %arg4[%mul3A_555, %dma_start3A_561] : memref<3276800x128xf32, #tpu.memory_space<hbm>> -> memref<64x128xf32, #tpu.memory_space<hbm>>
      %dma_start3A_563 = arith.constant 0 : i32
      %dma_start3A_564 = tpu.memref_slice %arg4[%mul3A_555, %dma_start3A_563] : memref<3276800x128xf32, #tpu.memory_space<hbm>> -> memref<64x128xf32, #tpu.memory_space<hbm>>
      %dma_start3A_565 = arith.constant 0 : i32
      %dma_start3A_566 = arith.constant 0 : i32
      %dma_start3A_567 = tpu.memref_slice %arg6[%dma_start3A_556, %dma_start3A_565, %dma_start3A_566] : memref<10x64x128xf32, #tpu.memory_space<vmem>> -> memref<1x64x128xf32, #tpu.memory_space<vmem>>
      %dma_start3A_568 = tpu.memref_squeeze %dma_start3A_567 : memref<1x64x128xf32, #tpu.memory_space<vmem>> -> memref<64x128xf32, #tpu.memory_space<vmem>>
      tpu.enqueue_dma source(%dma_start3A_568 : memref<64x128xf32, #tpu.memory_space<vmem>>) target(%dma_start3A_564 : memref<64x128xf32, #tpu.memory_space<hbm>>) target_semaphore(%arg24 : memref<!tpu.dma_semaphore, #tpu.memory_space<semaphore_mem>>)
      %add3A_569 = arith.constant 6 : i32
      %add3A_570 = arith.addi %mul3A_209, %add3A_569 : i32
      %dma_wait3A_571 = arith.constant 6 : i32
      %dma_wait3A_572 = arith.constant 0 : i32
      %dma_wait3A_573 = arith.constant 0 : i32
      %dma_wait3A_574 = tpu.memref_slice %arg6[%dma_wait3A_571, %dma_wait3A_572, %dma_wait3A_573] : memref<10x64x128xf32, #tpu.memory_space<vmem>> -> memref<1x64x128xf32, #tpu.memory_space<vmem>>
      %dma_wait3A_575 = tpu.memref_squeeze %dma_wait3A_574 : memref<1x64x128xf32, #tpu.memory_space<vmem>> -> memref<64x128xf32, #tpu.memory_space<vmem>>
      %dma_wait3A_576 = arith.constant 0 : i32
      %dma_wait3A_577 = tpu.memref_slice %arg5[%rem3A_198, %add3A_570, %dma_wait3A_576] : memref<2x80x64xi32, #tpu.memory_space<vmem>> -> memref<1x1x64xi32, #tpu.memory_space<vmem>>
      %dma_wait3A_578 = tpu.memref_squeeze %dma_wait3A_577 : memref<1x1x64xi32, #tpu.memory_space<vmem>> -> memref<64xi32, #tpu.memory_space<vmem>>
      %dma_wait3A_579 = arith.constant 0 : i32
      %dma_wait3A_580 = arith.constant 0 : i32
      %dma_wait3A_581 = tpu.memref_slice %arg7[%dma_wait3A_579, %dma_wait3A_580] : memref<32x128xf32, #tpu.memory_space<vmem_shared>> -> memref<32x128xf32, #tpu.memory_space<vmem_shared>>
      tpu.wait_indirect_dma semaphore(%arg15 : memref<!tpu.dma_semaphore, #tpu.memory_space<semaphore_mem>>) src(%dma_wait3A_581 : memref<32x128xf32, #tpu.memory_space<vmem_shared>>) dst(%dma_wait3A_575 : memref<64x128xf32, #tpu.memory_space<vmem>>)
      %add3A_582 = arith.constant 6 : i32
      %add3A_583 = arith.addi %add3A_196, %add3A_582 : i32
      %mul3A_584 = arith.constant 64 : i32
      %mul3A_585 = arith.muli %add3A_583, %mul3A_584 : i32
      %dma_start3A_586 = arith.constant 6 : i32
      %dma_start3A_587 = arith.constant 0 : i32
      %dma_start3A_588 = arith.constant 0 : i32
      %dma_start3A_589 = tpu.memref_slice %arg6[%dma_start3A_586, %dma_start3A_587, %dma_start3A_588] : memref<10x64x128xf32, #tpu.memory_space<vmem>> -> memref<1x64x128xf32, #tpu.memory_space<vmem>>
      %dma_start3A_590 = tpu.memref_squeeze %dma_start3A_589 : memref<1x64x128xf32, #tpu.memory_space<vmem>> -> memref<64x128xf32, #tpu.memory_space<vmem>>
      %dma_start3A_591 = arith.constant 0 : i32
      %dma_start3A_592 = tpu.memref_slice %arg4[%mul3A_585, %dma_start3A_591] : memref<3276800x128xf32, #tpu.memory_space<hbm>> -> memref<64x128xf32, #tpu.memory_space<hbm>>
      %dma_start3A_593 = arith.constant 0 : i32
      %dma_start3A_594 = tpu.memref_slice %arg4[%mul3A_585, %dma_start3A_593] : memref<3276800x128xf32, #tpu.memory_space<hbm>> -> memref<64x128xf32, #tpu.memory_space<hbm>>
      %dma_start3A_595 = arith.constant 0 : i32
      %dma_start3A_596 = arith.constant 0 : i32
      %dma_start3A_597 = tpu.memref_slice %arg6[%dma_start3A_586, %dma_start3A_595, %dma_start3A_596] : memref<10x64x128xf32, #tpu.memory_space<vmem>> -> memref<1x64x128xf32, #tpu.memory_space<vmem>>
      %dma_start3A_598 = tpu.memref_squeeze %dma_start3A_597 : memref<1x64x128xf32, #tpu.memory_space<vmem>> -> memref<64x128xf32, #tpu.memory_space<vmem>>
      tpu.enqueue_dma source(%dma_start3A_598 : memref<64x128xf32, #tpu.memory_space<vmem>>) target(%dma_start3A_594 : memref<64x128xf32, #tpu.memory_space<hbm>>) target_semaphore(%arg25 : memref<!tpu.dma_semaphore, #tpu.memory_space<semaphore_mem>>)
      %add3A_599 = arith.constant 7 : i32
      %add3A_600 = arith.addi %mul3A_209, %add3A_599 : i32
      %dma_wait3A_601 = arith.constant 7 : i32
      %dma_wait3A_602 = arith.constant 0 : i32
      %dma_wait3A_603 = arith.constant 0 : i32
      %dma_wait3A_604 = tpu.memref_slice %arg6[%dma_wait3A_601, %dma_wait3A_602, %dma_wait3A_603] : memref<10x64x128xf32, #tpu.memory_space<vmem>> -> memref<1x64x128xf32, #tpu.memory_space<vmem>>
      %dma_wait3A_605 = tpu.memref_squeeze %dma_wait3A_604 : memref<1x64x128xf32, #tpu.memory_space<vmem>> -> memref<64x128xf32, #tpu.memory_space<vmem>>
      %dma_wait3A_606 = arith.constant 0 : i32
      %dma_wait3A_607 = tpu.memref_slice %arg5[%rem3A_198, %add3A_600, %dma_wait3A_606] : memref<2x80x64xi32, #tpu.memory_space<vmem>> -> memref<1x1x64xi32, #tpu.memory_space<vmem>>
      %dma_wait3A_608 = tpu.memref_squeeze %dma_wait3A_607 : memref<1x1x64xi32, #tpu.memory_space<vmem>> -> memref<64xi32, #tpu.memory_space<vmem>>
      %dma_wait3A_609 = arith.constant 0 : i32
      %dma_wait3A_610 = arith.constant 0 : i32
      %dma_wait3A_611 = tpu.memref_slice %arg7[%dma_wait3A_609, %dma_wait3A_610] : memref<32x128xf32, #tpu.memory_space<vmem_shared>> -> memref<32x128xf32, #tpu.memory_space<vmem_shared>>
      tpu.wait_indirect_dma semaphore(%arg16 : memref<!tpu.dma_semaphore, #tpu.memory_space<semaphore_mem>>) src(%dma_wait3A_611 : memref<32x128xf32, #tpu.memory_space<vmem_shared>>) dst(%dma_wait3A_605 : memref<64x128xf32, #tpu.memory_space<vmem>>)
      %add3A_612 = arith.constant 7 : i32
      %add3A_613 = arith.addi %add3A_196, %add3A_612 : i32
      %mul3A_614 = arith.constant 64 : i32
      %mul3A_615 = arith.muli %add3A_613, %mul3A_614 : i32
      %dma_start3A_616 = arith.constant 7 : i32
      %dma_start3A_617 = arith.constant 0 : i32
      %dma_start3A_618 = arith.constant 0 : i32
      %dma_start3A_619 = tpu.memref_slice %arg6[%dma_start3A_616, %dma_start3A_617, %dma_start3A_618] : memref<10x64x128xf32, #tpu.memory_space<vmem>> -> memref<1x64x128xf32, #tpu.memory_space<vmem>>
      %dma_start3A_620 = tpu.memref_squeeze %dma_start3A_619 : memref<1x64x128xf32, #tpu.memory_space<vmem>> -> memref<64x128xf32, #tpu.memory_space<vmem>>
      %dma_start3A_621 = arith.constant 0 : i32
      %dma_start3A_622 = tpu.memref_slice %arg4[%mul3A_615, %dma_start3A_621] : memref<3276800x128xf32, #tpu.memory_space<hbm>> -> memref<64x128xf32, #tpu.memory_space<hbm>>
      %dma_start3A_623 = arith.constant 0 : i32
      %dma_start3A_624 = tpu.memref_slice %arg4[%mul3A_615, %dma_start3A_623] : memref<3276800x128xf32, #tpu.memory_space<hbm>> -> memref<64x128xf32, #tpu.memory_space<hbm>>
      %dma_start3A_625 = arith.constant 0 : i32
      %dma_start3A_626 = arith.constant 0 : i32
      %dma_start3A_627 = tpu.memref_slice %arg6[%dma_start3A_616, %dma_start3A_625, %dma_start3A_626] : memref<10x64x128xf32, #tpu.memory_space<vmem>> -> memref<1x64x128xf32, #tpu.memory_space<vmem>>
      %dma_start3A_628 = tpu.memref_squeeze %dma_start3A_627 : memref<1x64x128xf32, #tpu.memory_space<vmem>> -> memref<64x128xf32, #tpu.memory_space<vmem>>
      tpu.enqueue_dma source(%dma_start3A_628 : memref<64x128xf32, #tpu.memory_space<vmem>>) target(%dma_start3A_624 : memref<64x128xf32, #tpu.memory_space<hbm>>) target_semaphore(%arg26 : memref<!tpu.dma_semaphore, #tpu.memory_space<semaphore_mem>>)
      %add3A_629 = arith.constant 8 : i32
      %add3A_630 = arith.addi %mul3A_209, %add3A_629 : i32
      %dma_wait3A_631 = arith.constant 8 : i32
      %dma_wait3A_632 = arith.constant 0 : i32
      %dma_wait3A_633 = arith.constant 0 : i32
      %dma_wait3A_634 = tpu.memref_slice %arg6[%dma_wait3A_631, %dma_wait3A_632, %dma_wait3A_633] : memref<10x64x128xf32, #tpu.memory_space<vmem>> -> memref<1x64x128xf32, #tpu.memory_space<vmem>>
      %dma_wait3A_635 = tpu.memref_squeeze %dma_wait3A_634 : memref<1x64x128xf32, #tpu.memory_space<vmem>> -> memref<64x128xf32, #tpu.memory_space<vmem>>
      %dma_wait3A_636 = arith.constant 0 : i32
      %dma_wait3A_637 = tpu.memref_slice %arg5[%rem3A_198, %add3A_630, %dma_wait3A_636] : memref<2x80x64xi32, #tpu.memory_space<vmem>> -> memref<1x1x64xi32, #tpu.memory_space<vmem>>
      %dma_wait3A_638 = tpu.memref_squeeze %dma_wait3A_637 : memref<1x1x64xi32, #tpu.memory_space<vmem>> -> memref<64xi32, #tpu.memory_space<vmem>>
      %dma_wait3A_639 = arith.constant 0 : i32
      %dma_wait3A_640 = arith.constant 0 : i32
      %dma_wait3A_641 = tpu.memref_slice %arg7[%dma_wait3A_639, %dma_wait3A_640] : memref<32x128xf32, #tpu.memory_space<vmem_shared>> -> memref<32x128xf32, #tpu.memory_space<vmem_shared>>
      tpu.wait_indirect_dma semaphore(%arg17 : memref<!tpu.dma_semaphore, #tpu.memory_space<semaphore_mem>>) src(%dma_wait3A_641 : memref<32x128xf32, #tpu.memory_space<vmem_shared>>) dst(%dma_wait3A_635 : memref<64x128xf32, #tpu.memory_space<vmem>>)
      %add3A_642 = arith.constant 8 : i32
      %add3A_643 = arith.addi %add3A_196, %add3A_642 : i32
      %mul3A_644 = arith.constant 64 : i32
      %mul3A_645 = arith.muli %add3A_643, %mul3A_644 : i32
      %dma_start3A_646 = arith.constant 8 : i32
      %dma_start3A_647 = arith.constant 0 : i32
      %dma_start3A_648 = arith.constant 0 : i32
      %dma_start3A_649 = tpu.memref_slice %arg6[%dma_start3A_646, %dma_start3A_647, %dma_start3A_648] : memref<10x64x128xf32, #tpu.memory_space<vmem>> -> memref<1x64x128xf32, #tpu.memory_space<vmem>>
      %dma_start3A_650 = tpu.memref_squeeze %dma_start3A_649 : memref<1x64x128xf32, #tpu.memory_space<vmem>> -> memref<64x128xf32, #tpu.memory_space<vmem>>
      %dma_start3A_651 = arith.constant 0 : i32
      %dma_start3A_652 = tpu.memref_slice %arg4[%mul3A_645, %dma_start3A_651] : memref<3276800x128xf32, #tpu.memory_space<hbm>> -> memref<64x128xf32, #tpu.memory_space<hbm>>
      %dma_start3A_653 = arith.constant 0 : i32
      %dma_start3A_654 = tpu.memref_slice %arg4[%mul3A_645, %dma_start3A_653] : memref<3276800x128xf32, #tpu.memory_space<hbm>> -> memref<64x128xf32, #tpu.memory_space<hbm>>
      %dma_start3A_655 = arith.constant 0 : i32
      %dma_start3A_656 = arith.constant 0 : i32
      %dma_start3A_657 = tpu.memref_slice %arg6[%dma_start3A_646, %dma_start3A_655, %dma_start3A_656] : memref<10x64x128xf32, #tpu.memory_space<vmem>> -> memref<1x64x128xf32, #tpu.memory_space<vmem>>
      %dma_start3A_658 = tpu.memref_squeeze %dma_start3A_657 : memref<1x64x128xf32, #tpu.memory_space<vmem>> -> memref<64x128xf32, #tpu.memory_space<vmem>>
      tpu.enqueue_dma source(%dma_start3A_658 : memref<64x128xf32, #tpu.memory_space<vmem>>) target(%dma_start3A_654 : memref<64x128xf32, #tpu.memory_space<hbm>>) target_semaphore(%arg27 : memref<!tpu.dma_semaphore, #tpu.memory_space<semaphore_mem>>)
      %add3A_659 = arith.constant 9 : i32
      %add3A_660 = arith.addi %mul3A_209, %add3A_659 : i32
      %dma_wait3A_661 = arith.constant 9 : i32
      %dma_wait3A_662 = arith.constant 0 : i32
      %dma_wait3A_663 = arith.constant 0 : i32
      %dma_wait3A_664 = tpu.memref_slice %arg6[%dma_wait3A_661, %dma_wait3A_662, %dma_wait3A_663] : memref<10x64x128xf32, #tpu.memory_space<vmem>> -> memref<1x64x128xf32, #tpu.memory_space<vmem>>
      %dma_wait3A_665 = tpu.memref_squeeze %dma_wait3A_664 : memref<1x64x128xf32, #tpu.memory_space<vmem>> -> memref<64x128xf32, #tpu.memory_space<vmem>>
      %dma_wait3A_666 = arith.constant 0 : i32
      %dma_wait3A_667 = tpu.memref_slice %arg5[%rem3A_198, %add3A_660, %dma_wait3A_666] : memref<2x80x64xi32, #tpu.memory_space<vmem>> -> memref<1x1x64xi32, #tpu.memory_space<vmem>>
      %dma_wait3A_668 = tpu.memref_squeeze %dma_wait3A_667 : memref<1x1x64xi32, #tpu.memory_space<vmem>> -> memref<64xi32, #tpu.memory_space<vmem>>
      %dma_wait3A_669 = arith.constant 0 : i32
      %dma_wait3A_670 = arith.constant 0 : i32
      %dma_wait3A_671 = tpu.memref_slice %arg7[%dma_wait3A_669, %dma_wait3A_670] : memref<32x128xf32, #tpu.memory_space<vmem_shared>> -> memref<32x128xf32, #tpu.memory_space<vmem_shared>>
      tpu.wait_indirect_dma semaphore(%arg18 : memref<!tpu.dma_semaphore, #tpu.memory_space<semaphore_mem>>) src(%dma_wait3A_671 : memref<32x128xf32, #tpu.memory_space<vmem_shared>>) dst(%dma_wait3A_665 : memref<64x128xf32, #tpu.memory_space<vmem>>)
      %add3A_672 = arith.constant 9 : i32
      %add3A_673 = arith.addi %add3A_196, %add3A_672 : i32
      %mul3A_674 = arith.constant 64 : i32
      %mul3A_675 = arith.muli %add3A_673, %mul3A_674 : i32
      %dma_start3A_676 = arith.constant 9 : i32
      %dma_start3A_677 = arith.constant 0 : i32
      %dma_start3A_678 = arith.constant 0 : i32
      %dma_start3A_679 = tpu.memref_slice %arg6[%dma_start3A_676, %dma_start3A_677, %dma_start3A_678] : memref<10x64x128xf32, #tpu.memory_space<vmem>> -> memref<1x64x128xf32, #tpu.memory_space<vmem>>
      %dma_start3A_680 = tpu.memref_squeeze %dma_start3A_679 : memref<1x64x128xf32, #tpu.memory_space<vmem>> -> memref<64x128xf32, #tpu.memory_space<vmem>>
      %dma_start3A_681 = arith.constant 0 : i32
      %dma_start3A_682 = tpu.memref_slice %arg4[%mul3A_675, %dma_start3A_681] : memref<3276800x128xf32, #tpu.memory_space<hbm>> -> memref<64x128xf32, #tpu.memory_space<hbm>>
      %dma_start3A_683 = arith.constant 0 : i32
      %dma_start3A_684 = tpu.memref_slice %arg4[%mul3A_675, %dma_start3A_683] : memref<3276800x128xf32, #tpu.memory_space<hbm>> -> memref<64x128xf32, #tpu.memory_space<hbm>>
      %dma_start3A_685 = arith.constant 0 : i32
      %dma_start3A_686 = arith.constant 0 : i32
      %dma_start3A_687 = tpu.memref_slice %arg6[%dma_start3A_676, %dma_start3A_685, %dma_start3A_686] : memref<10x64x128xf32, #tpu.memory_space<vmem>> -> memref<1x64x128xf32, #tpu.memory_space<vmem>>
      %dma_start3A_688 = tpu.memref_squeeze %dma_start3A_687 : memref<1x64x128xf32, #tpu.memory_space<vmem>> -> memref<64x128xf32, #tpu.memory_space<vmem>>
      tpu.enqueue_dma source(%dma_start3A_688 : memref<64x128xf32, #tpu.memory_space<vmem>>) target(%dma_start3A_684 : memref<64x128xf32, #tpu.memory_space<hbm>>) target_semaphore(%arg28 : memref<!tpu.dma_semaphore, #tpu.memory_space<semaphore_mem>>)
    }
    %scan3A_21 = arith.constant 160 : i32
    %add3A_22 = arith.constant 1590 : i32
    %add3A_23 = arith.addi %mul3A_2, %add3A_22 : i32
    %add3A_24 = arith.constant 0 : i32
    %add3A_25 = arith.addi %add3A_23, %add3A_24 : i32
    %mul3A_26 = arith.constant 64 : i32
    %mul3A_27 = arith.muli %add3A_25, %mul3A_26 : i32
    %dma_wait3A = arith.constant 0 : i32
    %dma_wait3A_28 = arith.constant 0 : i32
    %dma_wait3A_29 = arith.constant 0 : i32
    %dma_wait3A_30 = tpu.memref_slice %arg6[%dma_wait3A, %dma_wait3A_28, %dma_wait3A_29] : memref<10x64x128xf32, #tpu.memory_space<vmem>> -> memref<1x64x128xf32, #tpu.memory_space<vmem>>
    %dma_wait3A_31 = tpu.memref_squeeze %dma_wait3A_30 : memref<1x64x128xf32, #tpu.memory_space<vmem>> -> memref<64x128xf32, #tpu.memory_space<vmem>>
    %dma_wait3A_32 = arith.constant 0 : i32
    %dma_wait3A_33 = tpu.memref_slice %arg4[%mul3A_27, %dma_wait3A_32] : memref<3276800x128xf32, #tpu.memory_space<hbm>> -> memref<64x128xf32, #tpu.memory_space<hbm>>
    %dma_wait3A_34 = arith.constant 0 : i32
    %dma_wait3A_35 = tpu.memref_slice %arg4[%mul3A_27, %dma_wait3A_34] : memref<3276800x128xf32, #tpu.memory_space<hbm>> -> memref<64x128xf32, #tpu.memory_space<hbm>>
    %dma_wait3A_36 = arith.constant 0 : i32
    %dma_wait3A_37 = arith.constant 0 : i32
    %dma_wait3A_38 = tpu.memref_slice %arg6[%dma_wait3A, %dma_wait3A_36, %dma_wait3A_37] : memref<10x64x128xf32, #tpu.memory_space<vmem>> -> memref<1x64x128xf32, #tpu.memory_space<vmem>>
    %dma_wait3A_39 = tpu.memref_squeeze %dma_wait3A_38 : memref<1x64x128xf32, #tpu.memory_space<vmem>> -> memref<64x128xf32, #tpu.memory_space<vmem>>
    tpu.wait_dma2 semaphore(%arg19 : memref<!tpu.dma_semaphore, #tpu.memory_space<semaphore_mem>>) src(%dma_wait3A_39 : memref<64x128xf32, #tpu.memory_space<vmem>>) dst(%dma_wait3A_35 : memref<64x128xf32, #tpu.memory_space<hbm>>)
    %add3A_40 = arith.constant 1 : i32
    %add3A_41 = arith.addi %add3A_23, %add3A_40 : i32
    %mul3A_42 = arith.constant 64 : i32
    %mul3A_43 = arith.muli %add3A_41, %mul3A_42 : i32
    %dma_wait3A_44 = arith.constant 1 : i32
    %dma_wait3A_45 = arith.constant 0 : i32
    %dma_wait3A_46 = arith.constant 0 : i32
    %dma_wait3A_47 = tpu.memref_slice %arg6[%dma_wait3A_44, %dma_wait3A_45, %dma_wait3A_46] : memref<10x64x128xf32, #tpu.memory_space<vmem>> -> memref<1x64x128xf32, #tpu.memory_space<vmem>>
    %dma_wait3A_48 = tpu.memref_squeeze %dma_wait3A_47 : memref<1x64x128xf32, #tpu.memory_space<vmem>> -> memref<64x128xf32, #tpu.memory_space<vmem>>
    %dma_wait3A_49 = arith.constant 0 : i32
    %dma_wait3A_50 = tpu.memref_slice %arg4[%mul3A_43, %dma_wait3A_49] : memref<3276800x128xf32, #tpu.memory_space<hbm>> -> memref<64x128xf32, #tpu.memory_space<hbm>>
    %dma_wait3A_51 = arith.constant 0 : i32
    %dma_wait3A_52 = tpu.memref_slice %arg4[%mul3A_43, %dma_wait3A_51] : memref<3276800x128xf32, #tpu.memory_space<hbm>> -> memref<64x128xf32, #tpu.memory_space<hbm>>
    %dma_wait3A_53 = arith.constant 0 : i32
    %dma_wait3A_54 = arith.constant 0 : i32
    %dma_wait3A_55 = tpu.memref_slice %arg6[%dma_wait3A_44, %dma_wait3A_53, %dma_wait3A_54] : memref<10x64x128xf32, #tpu.memory_space<vmem>> -> memref<1x64x128xf32, #tpu.memory_space<vmem>>
    %dma_wait3A_56 = tpu.memref_squeeze %dma_wait3A_55 : memref<1x64x128xf32, #tpu.memory_space<vmem>> -> memref<64x128xf32, #tpu.memory_space<vmem>>
    tpu.wait_dma2 semaphore(%arg20 : memref<!tpu.dma_semaphore, #tpu.memory_space<semaphore_mem>>) src(%dma_wait3A_56 : memref<64x128xf32, #tpu.memory_space<vmem>>) dst(%dma_wait3A_52 : memref<64x128xf32, #tpu.memory_space<hbm>>)
    %add3A_57 = arith.constant 2 : i32
    %add3A_58 = arith.addi %add3A_23, %add3A_57 : i32
    %mul3A_59 = arith.constant 64 : i32
    %mul3A_60 = arith.muli %add3A_58, %mul3A_59 : i32
    %dma_wait3A_61 = arith.constant 2 : i32
    %dma_wait3A_62 = arith.constant 0 : i32
    %dma_wait3A_63 = arith.constant 0 : i32
    %dma_wait3A_64 = tpu.memref_slice %arg6[%dma_wait3A_61, %dma_wait3A_62, %dma_wait3A_63] : memref<10x64x128xf32, #tpu.memory_space<vmem>> -> memref<1x64x128xf32, #tpu.memory_space<vmem>>
    %dma_wait3A_65 = tpu.memref_squeeze %dma_wait3A_64 : memref<1x64x128xf32, #tpu.memory_space<vmem>> -> memref<64x128xf32, #tpu.memory_space<vmem>>
    %dma_wait3A_66 = arith.constant 0 : i32
    %dma_wait3A_67 = tpu.memref_slice %arg4[%mul3A_60, %dma_wait3A_66] : memref<3276800x128xf32, #tpu.memory_space<hbm>> -> memref<64x128xf32, #tpu.memory_space<hbm>>
    %dma_wait3A_68 = arith.constant 0 : i32
    %dma_wait3A_69 = tpu.memref_slice %arg4[%mul3A_60, %dma_wait3A_68] : memref<3276800x128xf32, #tpu.memory_space<hbm>> -> memref<64x128xf32, #tpu.memory_space<hbm>>
    %dma_wait3A_70 = arith.constant 0 : i32
    %dma_wait3A_71 = arith.constant 0 : i32
    %dma_wait3A_72 = tpu.memref_slice %arg6[%dma_wait3A_61, %dma_wait3A_70, %dma_wait3A_71] : memref<10x64x128xf32, #tpu.memory_space<vmem>> -> memref<1x64x128xf32, #tpu.memory_space<vmem>>
    %dma_wait3A_73 = tpu.memref_squeeze %dma_wait3A_72 : memref<1x64x128xf32, #tpu.memory_space<vmem>> -> memref<64x128xf32, #tpu.memory_space<vmem>>
    tpu.wait_dma2 semaphore(%arg21 : memref<!tpu.dma_semaphore, #tpu.memory_space<semaphore_mem>>) src(%dma_wait3A_73 : memref<64x128xf32, #tpu.memory_space<vmem>>) dst(%dma_wait3A_69 : memref<64x128xf32, #tpu.memory_space<hbm>>)
    %add3A_74 = arith.constant 3 : i32
    %add3A_75 = arith.addi %add3A_23, %add3A_74 : i32
    %mul3A_76 = arith.constant 64 : i32
    %mul3A_77 = arith.muli %add3A_75, %mul3A_76 : i32
    %dma_wait3A_78 = arith.constant 3 : i32
    %dma_wait3A_79 = arith.constant 0 : i32
    %dma_wait3A_80 = arith.constant 0 : i32
    %dma_wait3A_81 = tpu.memref_slice %arg6[%dma_wait3A_78, %dma_wait3A_79, %dma_wait3A_80] : memref<10x64x128xf32, #tpu.memory_space<vmem>> -> memref<1x64x128xf32, #tpu.memory_space<vmem>>
    %dma_wait3A_82 = tpu.memref_squeeze %dma_wait3A_81 : memref<1x64x128xf32, #tpu.memory_space<vmem>> -> memref<64x128xf32, #tpu.memory_space<vmem>>
    %dma_wait3A_83 = arith.constant 0 : i32
    %dma_wait3A_84 = tpu.memref_slice %arg4[%mul3A_77, %dma_wait3A_83] : memref<3276800x128xf32, #tpu.memory_space<hbm>> -> memref<64x128xf32, #tpu.memory_space<hbm>>
    %dma_wait3A_85 = arith.constant 0 : i32
    %dma_wait3A_86 = tpu.memref_slice %arg4[%mul3A_77, %dma_wait3A_85] : memref<3276800x128xf32, #tpu.memory_space<hbm>> -> memref<64x128xf32, #tpu.memory_space<hbm>>
    %dma_wait3A_87 = arith.constant 0 : i32
    %dma_wait3A_88 = arith.constant 0 : i32
    %dma_wait3A_89 = tpu.memref_slice %arg6[%dma_wait3A_78, %dma_wait3A_87, %dma_wait3A_88] : memref<10x64x128xf32, #tpu.memory_space<vmem>> -> memref<1x64x128xf32, #tpu.memory_space<vmem>>
    %dma_wait3A_90 = tpu.memref_squeeze %dma_wait3A_89 : memref<1x64x128xf32, #tpu.memory_space<vmem>> -> memref<64x128xf32, #tpu.memory_space<vmem>>
    tpu.wait_dma2 semaphore(%arg22 : memref<!tpu.dma_semaphore, #tpu.memory_space<semaphore_mem>>) src(%dma_wait3A_90 : memref<64x128xf32, #tpu.memory_space<vmem>>) dst(%dma_wait3A_86 : memref<64x128xf32, #tpu.memory_space<hbm>>)
    %add3A_91 = arith.constant 4 : i32
    %add3A_92 = arith.addi %add3A_23, %add3A_91 : i32
    %mul3A_93 = arith.constant 64 : i32
    %mul3A_94 = arith.muli %add3A_92, %mul3A_93 : i32
    %dma_wait3A_95 = arith.constant 4 : i32
    %dma_wait3A_96 = arith.constant 0 : i32
    %dma_wait3A_97 = arith.constant 0 : i32
    %dma_wait3A_98 = tpu.memref_slice %arg6[%dma_wait3A_95, %dma_wait3A_96, %dma_wait3A_97] : memref<10x64x128xf32, #tpu.memory_space<vmem>> -> memref<1x64x128xf32, #tpu.memory_space<vmem>>
    %dma_wait3A_99 = tpu.memref_squeeze %dma_wait3A_98 : memref<1x64x128xf32, #tpu.memory_space<vmem>> -> memref<64x128xf32, #tpu.memory_space<vmem>>
    %dma_wait3A_100 = arith.constant 0 : i32
    %dma_wait3A_101 = tpu.memref_slice %arg4[%mul3A_94, %dma_wait3A_100] : memref<3276800x128xf32, #tpu.memory_space<hbm>> -> memref<64x128xf32, #tpu.memory_space<hbm>>
    %dma_wait3A_102 = arith.constant 0 : i32
    %dma_wait3A_103 = tpu.memref_slice %arg4[%mul3A_94, %dma_wait3A_102] : memref<3276800x128xf32, #tpu.memory_space<hbm>> -> memref<64x128xf32, #tpu.memory_space<hbm>>
    %dma_wait3A_104 = arith.constant 0 : i32
    %dma_wait3A_105 = arith.constant 0 : i32
    %dma_wait3A_106 = tpu.memref_slice %arg6[%dma_wait3A_95, %dma_wait3A_104, %dma_wait3A_105] : memref<10x64x128xf32, #tpu.memory_space<vmem>> -> memref<1x64x128xf32, #tpu.memory_space<vmem>>
    %dma_wait3A_107 = tpu.memref_squeeze %dma_wait3A_106 : memref<1x64x128xf32, #tpu.memory_space<vmem>> -> memref<64x128xf32, #tpu.memory_space<vmem>>
    tpu.wait_dma2 semaphore(%arg23 : memref<!tpu.dma_semaphore, #tpu.memory_space<semaphore_mem>>) src(%dma_wait3A_107 : memref<64x128xf32, #tpu.memory_space<vmem>>) dst(%dma_wait3A_103 : memref<64x128xf32, #tpu.memory_space<hbm>>)
    %add3A_108 = arith.constant 5 : i32
    %add3A_109 = arith.addi %add3A_23, %add3A_108 : i32
    %mul3A_110 = arith.constant 64 : i32
    %mul3A_111 = arith.muli %add3A_109, %mul3A_110 : i32
    %dma_wait3A_112 = arith.constant 5 : i32
    %dma_wait3A_113 = arith.constant 0 : i32
    %dma_wait3A_114 = arith.constant 0 : i32
    %dma_wait3A_115 = tpu.memref_slice %arg6[%dma_wait3A_112, %dma_wait3A_113, %dma_wait3A_114] : memref<10x64x128xf32, #tpu.memory_space<vmem>> -> memref<1x64x128xf32, #tpu.memory_space<vmem>>
    %dma_wait3A_116 = tpu.memref_squeeze %dma_wait3A_115 : memref<1x64x128xf32, #tpu.memory_space<vmem>> -> memref<64x128xf32, #tpu.memory_space<vmem>>
    %dma_wait3A_117 = arith.constant 0 : i32
    %dma_wait3A_118 = tpu.memref_slice %arg4[%mul3A_111, %dma_wait3A_117] : memref<3276800x128xf32, #tpu.memory_space<hbm>> -> memref<64x128xf32, #tpu.memory_space<hbm>>
    %dma_wait3A_119 = arith.constant 0 : i32
    %dma_wait3A_120 = tpu.memref_slice %arg4[%mul3A_111, %dma_wait3A_119] : memref<3276800x128xf32, #tpu.memory_space<hbm>> -> memref<64x128xf32, #tpu.memory_space<hbm>>
    %dma_wait3A_121 = arith.constant 0 : i32
    %dma_wait3A_122 = arith.constant 0 : i32
    %dma_wait3A_123 = tpu.memref_slice %arg6[%dma_wait3A_112, %dma_wait3A_121, %dma_wait3A_122] : memref<10x64x128xf32, #tpu.memory_space<vmem>> -> memref<1x64x128xf32, #tpu.memory_space<vmem>>
    %dma_wait3A_124 = tpu.memref_squeeze %dma_wait3A_123 : memref<1x64x128xf32, #tpu.memory_space<vmem>> -> memref<64x128xf32, #tpu.memory_space<vmem>>
    tpu.wait_dma2 semaphore(%arg24 : memref<!tpu.dma_semaphore, #tpu.memory_space<semaphore_mem>>) src(%dma_wait3A_124 : memref<64x128xf32, #tpu.memory_space<vmem>>) dst(%dma_wait3A_120 : memref<64x128xf32, #tpu.memory_space<hbm>>)
    %add3A_125 = arith.constant 6 : i32
    %add3A_126 = arith.addi %add3A_23, %add3A_125 : i32
    %mul3A_127 = arith.constant 64 : i32
    %mul3A_128 = arith.muli %add3A_126, %mul3A_127 : i32
    %dma_wait3A_129 = arith.constant 6 : i32
    %dma_wait3A_130 = arith.constant 0 : i32
    %dma_wait3A_131 = arith.constant 0 : i32
    %dma_wait3A_132 = tpu.memref_slice %arg6[%dma_wait3A_129, %dma_wait3A_130, %dma_wait3A_131] : memref<10x64x128xf32, #tpu.memory_space<vmem>> -> memref<1x64x128xf32, #tpu.memory_space<vmem>>
    %dma_wait3A_133 = tpu.memref_squeeze %dma_wait3A_132 : memref<1x64x128xf32, #tpu.memory_space<vmem>> -> memref<64x128xf32, #tpu.memory_space<vmem>>
    %dma_wait3A_134 = arith.constant 0 : i32
    %dma_wait3A_135 = tpu.memref_slice %arg4[%mul3A_128, %dma_wait3A_134] : memref<3276800x128xf32, #tpu.memory_space<hbm>> -> memref<64x128xf32, #tpu.memory_space<hbm>>
    %dma_wait3A_136 = arith.constant 0 : i32
    %dma_wait3A_137 = tpu.memref_slice %arg4[%mul3A_128, %dma_wait3A_136] : memref<3276800x128xf32, #tpu.memory_space<hbm>> -> memref<64x128xf32, #tpu.memory_space<hbm>>
    %dma_wait3A_138 = arith.constant 0 : i32
    %dma_wait3A_139 = arith.constant 0 : i32
    %dma_wait3A_140 = tpu.memref_slice %arg6[%dma_wait3A_129, %dma_wait3A_138, %dma_wait3A_139] : memref<10x64x128xf32, #tpu.memory_space<vmem>> -> memref<1x64x128xf32, #tpu.memory_space<vmem>>
    %dma_wait3A_141 = tpu.memref_squeeze %dma_wait3A_140 : memref<1x64x128xf32, #tpu.memory_space<vmem>> -> memref<64x128xf32, #tpu.memory_space<vmem>>
    tpu.wait_dma2 semaphore(%arg25 : memref<!tpu.dma_semaphore, #tpu.memory_space<semaphore_mem>>) src(%dma_wait3A_141 : memref<64x128xf32, #tpu.memory_space<vmem>>) dst(%dma_wait3A_137 : memref<64x128xf32, #tpu.memory_space<hbm>>)
    %add3A_142 = arith.constant 7 : i32
    %add3A_143 = arith.addi %add3A_23, %add3A_142 : i32
    %mul3A_144 = arith.constant 64 : i32
    %mul3A_145 = arith.muli %add3A_143, %mul3A_144 : i32
    %dma_wait3A_146 = arith.constant 7 : i32
    %dma_wait3A_147 = arith.constant 0 : i32
    %dma_wait3A_148 = arith.constant 0 : i32
    %dma_wait3A_149 = tpu.memref_slice %arg6[%dma_wait3A_146, %dma_wait3A_147, %dma_wait3A_148] : memref<10x64x128xf32, #tpu.memory_space<vmem>> -> memref<1x64x128xf32, #tpu.memory_space<vmem>>
    %dma_wait3A_150 = tpu.memref_squeeze %dma_wait3A_149 : memref<1x64x128xf32, #tpu.memory_space<vmem>> -> memref<64x128xf32, #tpu.memory_space<vmem>>
    %dma_wait3A_151 = arith.constant 0 : i32
    %dma_wait3A_152 = tpu.memref_slice %arg4[%mul3A_145, %dma_wait3A_151] : memref<3276800x128xf32, #tpu.memory_space<hbm>> -> memref<64x128xf32, #tpu.memory_space<hbm>>
    %dma_wait3A_153 = arith.constant 0 : i32
    %dma_wait3A_154 = tpu.memref_slice %arg4[%mul3A_145, %dma_wait3A_153] : memref<3276800x128xf32, #tpu.memory_space<hbm>> -> memref<64x128xf32, #tpu.memory_space<hbm>>
    %dma_wait3A_155 = arith.constant 0 : i32
    %dma_wait3A_156 = arith.constant 0 : i32
    %dma_wait3A_157 = tpu.memref_slice %arg6[%dma_wait3A_146, %dma_wait3A_155, %dma_wait3A_156] : memref<10x64x128xf32, #tpu.memory_space<vmem>> -> memref<1x64x128xf32, #tpu.memory_space<vmem>>
    %dma_wait3A_158 = tpu.memref_squeeze %dma_wait3A_157 : memref<1x64x128xf32, #tpu.memory_space<vmem>> -> memref<64x128xf32, #tpu.memory_space<vmem>>
    tpu.wait_dma2 semaphore(%arg26 : memref<!tpu.dma_semaphore, #tpu.memory_space<semaphore_mem>>) src(%dma_wait3A_158 : memref<64x128xf32, #tpu.memory_space<vmem>>) dst(%dma_wait3A_154 : memref<64x128xf32, #tpu.memory_space<hbm>>)
    %add3A_159 = arith.constant 8 : i32
    %add3A_160 = arith.addi %add3A_23, %add3A_159 : i32
    %mul3A_161 = arith.constant 64 : i32
    %mul3A_162 = arith.muli %add3A_160, %mul3A_161 : i32
    %dma_wait3A_163 = arith.constant 8 : i32
    %dma_wait3A_164 = arith.constant 0 : i32
    %dma_wait3A_165 = arith.constant 0 : i32
    %dma_wait3A_166 = tpu.memref_slice %arg6[%dma_wait3A_163, %dma_wait3A_164, %dma_wait3A_165] : memref<10x64x128xf32, #tpu.memory_space<vmem>> -> memref<1x64x128xf32, #tpu.memory_space<vmem>>
    %dma_wait3A_167 = tpu.memref_squeeze %dma_wait3A_166 : memref<1x64x128xf32, #tpu.memory_space<vmem>> -> memref<64x128xf32, #tpu.memory_space<vmem>>
    %dma_wait3A_168 = arith.constant 0 : i32
    %dma_wait3A_169 = tpu.memref_slice %arg4[%mul3A_162, %dma_wait3A_168] : memref<3276800x128xf32, #tpu.memory_space<hbm>> -> memref<64x128xf32, #tpu.memory_space<hbm>>
    %dma_wait3A_170 = arith.constant 0 : i32
    %dma_wait3A_171 = tpu.memref_slice %arg4[%mul3A_162, %dma_wait3A_170] : memref<3276800x128xf32, #tpu.memory_space<hbm>> -> memref<64x128xf32, #tpu.memory_space<hbm>>
    %dma_wait3A_172 = arith.constant 0 : i32
    %dma_wait3A_173 = arith.constant 0 : i32
    %dma_wait3A_174 = tpu.memref_slice %arg6[%dma_wait3A_163, %dma_wait3A_172, %dma_wait3A_173] : memref<10x64x128xf32, #tpu.memory_space<vmem>> -> memref<1x64x128xf32, #tpu.memory_space<vmem>>
    %dma_wait3A_175 = tpu.memref_squeeze %dma_wait3A_174 : memref<1x64x128xf32, #tpu.memory_space<vmem>> -> memref<64x128xf32, #tpu.memory_space<vmem>>
    tpu.wait_dma2 semaphore(%arg27 : memref<!tpu.dma_semaphore, #tpu.memory_space<semaphore_mem>>) src(%dma_wait3A_175 : memref<64x128xf32, #tpu.memory_space<vmem>>) dst(%dma_wait3A_171 : memref<64x128xf32, #tpu.memory_space<hbm>>)
    %add3A_176 = arith.constant 9 : i32
    %add3A_177 = arith.addi %add3A_23, %add3A_176 : i32
    %mul3A_178 = arith.constant 64 : i32
    %mul3A_179 = arith.muli %add3A_177, %mul3A_178 : i32
    %dma_wait3A_180 = arith.constant 9 : i32
    %dma_wait3A_181 = arith.constant 0 : i32
    %dma_wait3A_182 = arith.constant 0 : i32
    %dma_wait3A_183 = tpu.memref_slice %arg6[%dma_wait3A_180, %dma_wait3A_181, %dma_wait3A_182] : memref<10x64x128xf32, #tpu.memory_space<vmem>> -> memref<1x64x128xf32, #tpu.memory_space<vmem>>
    %dma_wait3A_184 = tpu.memref_squeeze %dma_wait3A_183 : memref<1x64x128xf32, #tpu.memory_space<vmem>> -> memref<64x128xf32, #tpu.memory_space<vmem>>
    %dma_wait3A_185 = arith.constant 0 : i32
    %dma_wait3A_186 = tpu.memref_slice %arg4[%mul3A_179, %dma_wait3A_185] : memref<3276800x128xf32, #tpu.memory_space<hbm>> -> memref<64x128xf32, #tpu.memory_space<hbm>>
    %dma_wait3A_187 = arith.constant 0 : i32
    %dma_wait3A_188 = tpu.memref_slice %arg4[%mul3A_179, %dma_wait3A_187] : memref<3276800x128xf32, #tpu.memory_space<hbm>> -> memref<64x128xf32, #tpu.memory_space<hbm>>
    %dma_wait3A_189 = arith.constant 0 : i32
    %dma_wait3A_190 = arith.constant 0 : i32
    %dma_wait3A_191 = tpu.memref_slice %arg6[%dma_wait3A_180, %dma_wait3A_189, %dma_wait3A_190] : memref<10x64x128xf32, #tpu.memory_space<vmem>> -> memref<1x64x128xf32, #tpu.memory_space<vmem>>
    %dma_wait3A_192 = tpu.memref_squeeze %dma_wait3A_191 : memref<1x64x128xf32, #tpu.memory_space<vmem>> -> memref<64x128xf32, #tpu.memory_space<vmem>>
    tpu.wait_dma2 semaphore(%arg28 : memref<!tpu.dma_semaphore, #tpu.memory_space<semaphore_mem>>) src(%dma_wait3A_192 : memref<64x128xf32, #tpu.memory_space<vmem>>) dst(%dma_wait3A_188 : memref<64x128xf32, #tpu.memory_space<hbm>>)
    return
  }
}

</mosaic_0001>

<sc_bundles>
// kernel: kernel.3.cloned.1.call-start
scs
__scs_entry_jumppad:
0x0: {  	(pc) =	sbr.rel $0x88, $3  }
0x1: {  	(tag) =	ssettag $0x0;
	lr =	simm.s32 $0x1  }
0x2: {  	[smem:$0x3F9F] =	sst lr;
	_ =	strace $0xD0000000  }
0x3: {  	_ = 	snop  }
0x4: {  	_ = 	snop  }
0x5: {  	_ = 	snop  }
0x6: {  	_ = 	snop  }
0x7: {  	_ = 	snop  }
__scs_overlays_trampoline_lowered:
0x8: {  	[smem:$0x3FAE] =	sst s0  }
0x9: {  	[smem:$0x3FAF] =	sst s1  }
0xa: {  	[smem:$0x3FB0] =	sst s2  }
0xb: {  	[smem:$0x3FB1] =	sst s3  }
0xc: {  	[smem:$0x3FB2] =	sst s4  }
0xd: {  	[smem:$0x3FB3] =	sst s5  }
0xe: {  	[smem:$0x3FB4] =	sst s6  }
0xf: {  	[smem:$0x3FB5] =	sst s7  }
0x10: {  	[smem:$0x3FB6] =	sst s8  }
0x11: {  	[smem:$0x3FB7] =	sst s9;
	s0 =	simm.s32 @!p0 $0x0  }
0x12: {  	s1 =	sld [smem:$0x3F9D];
	s0 =	simm.s32 @p0 $0x1  }
0x13: {  	[smem:$0x3FB8] =	sst s0;
	s0 =	simm.s32 @!p1 $0x0  }
0x14: {  	s2 =	sld [smem:$0x3F9C];
	s0 =	simm.s32 @p1 $0x1  }
0x15: {  	[smem:$0x3FB9] =	sst s0;
	s0 =	simm.s32 @!p2 $0x0  }
0x16: {  	s3 =	sld [smem:$0x3FDB];
	s0 =	simm.s32 @p2 $0x1  }
0x17: {  	s4 =	simm.s32 $0x1BF5;
	[smem:$0x3FBB] =	sst s0  }
0x18: {  	s0 =	sld [smem:$0x3F9E];
	_ =	swait.ge [sflag:s4], $0x0  }
0x19: {  	s7 =	sld [smem:$0x3F9F]  }
0x1a: {  	s8 =	sadd.s32 $0xFFFFE003, lr  }
0x1b: {  	s9 =	sadd.s32 $0xFFFFFEF7, lr;
	s5 =	simm.s32 $0xFFFFFFFF;
	p2 =	slt.u32 s8, $0xFFFFF086  }
0x1c: {  	p1 =	slt.u32 s9, $0xF7A;
	s5 =	simm.s32 @!p2 $0x0  }
0x1d: {  	s5 =	simm.s32 @p1 $0x1;
	p0 =	seq.s32 s7, s2  }
0x1e: {  	s7 =	smul.u32 @!p0 $0xF7A, s2;
	p2 =	seq.s32 @!p0 s5, $0x0  }
0x1f: {  	s9 =	smul.u32 $0xF7A, s1;
	s8 =	simm.s32 @!p0 $0x1BF5;
	p2 =	por !p2, p0  }
0x20: {  	[sflag:s8] =	ssyncset.s32 @!p0 $0xFFFFF086;
	s6 =	sadd.s32 @!p0 s3, s7;
	s7 =	simm.s32 @!p0 $0x108  }
0x21: {  	s3 =	sadd.s32 s3, s9;
	s6 =	sadd.s32 @!p0 $0x88, s6;
	s7 =	simm.s32 @p2 $0x1082  }
0x22: {  	[simem:s7], [sflag:s8] =	dma.local @!p0 [hbm:s6], $0xF7A  }
0x23: {  	s9 =	sor.u32 $0xD0000000, s2;
	s6 =	simm.s32 $0x108;
	_ =	swait.ge @!p0 [sflag:s8], $0x0  }
0x24: {  	s3 =	sadd.s32 $0x88, s3;
	s6 =	simm.s32 @!p1 $0x1082;
	[sflag:s4] =	ssyncset.s32 $0xFFFFF086  }
0x25: {  	[simem:s6], [sflag:s4] =	dma.local [hbm:s3], $0xF7A  }
0x26: {  	[smem:$0x3F9F] =	sst s1;
	(tag) =	ssettag s2;
	_ =	strace s9  }
0x27: {  	s1 =	sld [smem:$0x3FAF]  }
0x28: {  	s2 =	sld [smem:$0x3FB0]  }
0x29: {  	s4 =	sld [smem:$0x3FB2]  }
0x2a: {  	p0 =	seq.s32 s5, $0x0;
	s5 =	sld [smem:$0x3FB3]  }
0x2b: {  	s6 =	sld [smem:$0x3FB4]  }
0x2c: {  	s7 =	sld [smem:$0x3FB5]  }
0x2d: {  	s3 =	simm.s32 $0x108;
	s8 =	sld [smem:$0x3FB6]  }
0x2e: {  	s3 =	simm.s32 @!p0 $0x1082;
	s9 =	sld [smem:$0x3FB7]  }
0x2f: {  	lr =	sadd.s32 s0, s3;
	s0 =	sld [smem:$0x3FAE]  }
0x30: {  	s3 =	sld [smem:$0x3FB1]  }
0x31: {  	[smem:$0x3FBA] =	sst s10  }
0x32: {  	s10 =	sld [smem:$0x3FB8];
	_ =	sdelay $0x3  }
0x33: {  	p0 =	seq.s32 s10, $0x1;
	s10 =	sld [smem:$0x3FBA];
	_ =	sdelay $0x3  }
0x34: {  	[smem:$0x3FBA] =	sst s10  }
0x35: {  	s10 =	sld [smem:$0x3FB9];
	_ =	sdelay $0x3  }
0x36: {  	p1 =	seq.s32 s10, $0x1;
	s10 =	sld [smem:$0x3FBA];
	_ =	sdelay $0x3  }
0x37: {  	[smem:$0x3FBA] =	sst s10  }
0x38: {  	s10 =	sld [smem:$0x3FBB]  }
0x39: {  	_ = 	snop;
	(pc) =	sbr.ind lr, $3  }
0x3a: {  	_ = 	snop  }
0x3b: {  	_ = 	snop  }
0x3c: {  	p2 =	seq.s32 s10, $0x1;
	s10 =	sld [smem:$0x3FBA]  }
0x3d: {  	_ =	shalt  }
0x3e: {  	_ =	shalt  }
0x3f: {  	_ =	shalt  }
0x40: {  	_ =	shalt  }
0x41: {  	_ =	shalt  }
0x42: {  	_ =	shalt  }
0x43: {  	_ =	shalt  }
0x44: {  	_ =	shalt  }
0x45: {  	_ =	shalt  }
0x46: {  	_ =	shalt  }
0x47: {  	_ =	shalt  }
0x48: {  	_ =	shalt  }
0x49: {  	_ =	shalt  }
0x4a: {  	_ =	shalt  }
0x4b: {  	_ =	shalt  }
0x4c: {  	_ =	shalt  }
0x4d: {  	_ =	shalt  }
0x4e: {  	_ =	shalt  }
0x4f: {  	_ =	shalt  }
0x50: {  	_ =	shalt  }
0x51: {  	_ =	shalt  }
0x52: {  	_ =	shalt  }
0x53: {  	_ =	shalt  }
0x54: {  	_ =	shalt  }
0x55: {  	_ =	shalt  }
0x56: {  	_ =	shalt  }
0x57: {  	_ =	shalt  }
0x58: {  	_ =	shalt  }
0x59: {  	_ =	shalt  }
0x5a: {  	_ =	shalt  }
0x5b: {  	_ =	shalt  }
0x5c: {  	_ =	shalt  }
0x5d: {  	_ =	shalt  }
0x5e: {  	_ =	shalt  }
0x5f: {  	_ =	shalt  }
0x60: {  	_ =	shalt  }
0x61: {  	_ =	shalt  }
0x62: {  	_ =	shalt  }
0x63: {  	_ =	shalt  }
0x64: {  	_ =	shalt  }
0x65: {  	_ =	shalt  }
0x66: {  	_ =	shalt  }
0x67: {  	_ =	shalt  }
0x68: {  	_ =	shalt  }
0x69: {  	_ =	shalt  }
0x6a: {  	_ =	shalt  }
0x6b: {  	_ =	shalt  }
0x6c: {  	_ =	shalt  }
0x6d: {  	_ =	shalt  }
0x6e: {  	_ =	shalt  }
0x6f: {  	_ =	shalt  }
0x70: {  	_ =	shalt  }
0x71: {  	_ =	shalt  }
0x72: {  	_ =	shalt  }
0x73: {  	_ =	shalt  }
0x74: {  	_ =	shalt  }
0x75: {  	_ =	shalt  }
0x76: {  	_ =	shalt  }
0x77: {  	_ =	shalt  }
0x78: {  	_ =	shalt  }
0x79: {  	_ =	shalt  }
0x7a: {  	_ =	shalt  }
0x7b: {  	_ =	shalt  }
0x7c: {  	_ =	shalt  }
0x7d: {  	_ =	shalt  }
0x7e: {  	_ =	shalt  }
0x7f: {  	_ =	shalt  }
0x80: {  	_ =	shalt  }
0x81: {  	_ =	shalt  }
0x82: {  	_ =	shalt  }
0x83: {  	_ =	shalt  }
0x84: {  	_ =	shalt  }
0x85: {  	_ =	shalt  }
0x86: {  	_ =	shalt  }
0x87: {  	_ =	shalt  }
.Lfunc_end0:
.L_simem_size_0:
called_computation_lowered:
.L_overlay_start_0:
0x88: {  	s2 =	sld [smem:$0x3FD9]  }
0x89: {  	s3 =	sld [smem:$0x3FFE];
	_ =	sdelay $0x1  }
0x8a: {  	s1 =	srdreg.scid  }
0x8b: {  	s0 =	sand.u32 $0x1, s1  }
0x8c: {  	s17 =	sshll.u32 s0, $0xA;
	s2 =	sadd.s32 s3, s2  }
0x8d: {  	s2 =	sadd.s32 s2, s17  }
0x8e: {  	[smem:$0x3FC6] =	sst s2  }
0x8f: {  	_ = 	snop  }
0x90: {  	s2 =	sld [smem:$0x3FC8]  }
0x91: {  	s18 =	sld [smem:$0x3FD0];
	(tm) =	ssettm $0x1  }
0x92: {  	s4 =	sld [smem:$0x3FFB];
	_ =	sdelay $0x3  }
0x93: {  	_ =	strace s4  }
0x94: {  	s4 =	sld [smem:$0x3FFC];
	_ =	sdelay $0x3  }
0x95: {  	_ =	strace s4  }
0x96: {  	s4 =	sld [smem:$0x3FFD];
	_ =	sdelay $0x3  }
0x97: {  	_ =	strace s4  }
0x98: {  	_ =	strace $0x8FFFFFFF  }
0x99: {  	s19 =	sld [smem:$0x3FDB];
	_ =	sdelay $0x1  }
0x9a: {  	s5 =	simm.s32 $_scs_section_size  }
0x9b: {  	s6 =	simm.s32 $_size__tile_overlayer_lowered;
	s7 =	simm.s32 $_tile_overlayer_lowered  }
0x9c: {  	s22 =	simm.s32 $0x1BFF;
	s21 =	sshll.u32 s7, $0x1;
	s4 =	sadd.s32 s5, s19  }
0x9d: {  	s8 =	simm.s32 $0x0;
	s20 =	sshll.u32 s6, $0x1;
	s6 =	sadd.s32 s21, s4  }
0x9e: {  	[timem:s8], [sflag:s22] =	dma.local [hbm:s6], s20  }
0x9f: {  	_ =	swait.ge [sflag:s22], s20  }
0xa0: {  	s5 =	ssub.s32 $0x0, s20;
	[sflag:s22] =	ssyncset.done $0x0  }
0xa1: {  	[sflag:s22] =	ssyncadd.s32 s5;
	_ =	sdelay $0x1  }
0xa2: {  	s23 =	simm.s32 $0x1B8B  }
0xa3: {  	_ =	swait.ge [sflag:s23], $0x1  }
0xa4: {  	[sflag:s23] =	ssyncset.done $0x0  }
0xa5: {  	s25 =	simm.s32 $0x1B8E;
	s24 =	sld [smem:$0x3FFE];
	[sflag:s23] =	ssyncadd.s32 $0xFFFFFFFF  }
0xa6: {  	s26 =	simm.s32 $execute0_lowered;
	[smem:$0x3FD2] =	sst s25  }
0xa7: {  	s6 =	sshll.u32 s26, $0x1;
	_ =	strace $0x80000046;
	[dreg:$0x1] =	wrdreg $0xFFFFFFFF  }
0xa8: {  	s28 =	simm.s32 $_size_execute0_lowered;
	s4 =	sadd.s32 s4, s6;
	[dreg:$0x0] =	wrdreg $0x0  }
0xa9: {  	s6 =	sshll.u32 s28, $0x1;
	[dreg:$0x2] =	wrdreg s4  }
0xaa: {  	[dreg:$0x3] =	wrdreg s6  }
0xab: {  	[dreg:$0x4] =	wrdreg $0xC0  }
0xac: {  	_ =	task [dreg:s8], $0x5FFFF  }
0xad: {  	[dreg:$0x1] =	wrdreg $0xFFFFFFFF  }
0xae: {  	[dreg:$0x0] =	wrdreg $0x60  }
0xaf: {  	[dreg:$0x2] =	wrdreg s24  }
0xb0: {  	[dreg:$0x3] =	wrdreg s2  }
0xb1: {  	[dreg:$0x4] =	wrdreg s18  }
0xb2: {  	[dreg:$0x5] =	wrdreg $0x190000  }
0xb3: {  	[dreg:$0x6] =	wrdreg $0x9  }
0xb4: {  	_ =	task.clear_ibuf [dreg:s8], $0x7FFFF;
	_ =	strace $0x90000046  }
0xb5: {  	s29 =	simm.s32 $0x9;
	_ =	strace $0x80000048  }
0xb6: {  	_ =	swait.ge [sflag:s29], $0x1  }
0xb7: {  	[sflag:s29] =	ssyncadd.s32 $0xFFFFFFFF  }
0xb8: {  	_ =	strace $0x90000048  }
0xb9: {  	_ =	sfence  }
0xba: {  	s30 =	sld [smem:$0x0];
	_ =	sdelay $0x2  }
0xbb: {  	s31 =	sshll.u32 s1, $0xD;
	s1 =	sshrl.u32 s1, $0x2  }
0xbc: {  	s3 =	sand.u32 $0x4000, s31;
	s1 =	sadd.s32 s1, s30  }
0xbd: {  	s0 =	sor.u32 s3, s0;
	s1 =	sshll.u32 s1, $0x11  }
0xbe: {  	s0 =	sor.u32 s1, s0  }
0xbf: {  	s0 =	sadd.s32 $0x8F2B, s0  }
0xc0: {  	[sflag:s0] =	ssyncadd.remote.s32 $0x1  }
0xc1: {  	_ =	sfence.sel $0xFFFF  }
0xc2: {  	[dreg:$0x0] =	wrdreg $0xFFFFFFFF;
	(pc) =	sbr.abs _section_cstart, $3  }
0xc3: {  	[dreg:$0x1] =	wrdreg $0xFFFFFFFF  }
0xc4: {  	_ =	task.clear_ibuf [dreg:s8], $0x2FFFF;
	_ =	strace $0x9FFFFFFF  }
0xc5: {  	(tm) =	ssettm $0x7FFFFFFF  }
tec
execute0_lowered:
.L_overlay_start_1:
0x0: {  	(tag) =	ssettag $0x1  }
0x1: {  	s0 =	rddreg [dreg:$0x0]  }
0x2: {  	s1 =	srdreg.scid;
	s5 =	rddreg [dreg:$0x2]  }
0x3: {  	s4 =	stileid.u32;
	s2 =	rddreg [dreg:$0x3]  }
0x4: {  	s21 =	simm.s32 $0x2;
	s22 =	simm.s32 $0x3;
	s23 =	simm.s32 $0x4  }
0x5: {  	s28 =	simm.s32 $0x8;
	s29 =	simm.s32 $0x9;
	s30 =	simm.s32 $0xA  }
0x6: {  	s31 =	simm.s32 $0xB;
	s12 =	simm.s32 $0x15;
	s1 =	sand.u32 $0x1, s1  }
0x7: {  	s3 =	sshll.u32 s4, $0x1;
	s10 =	smul.u32 $0x320000, s4;
	s11 =	sadd.s32 $0x400, s0  }
0x8: {  	s6 =	sor.u32 s1, s3;
	s8 =	ssub.s32 $0x2, s1;
	s1 =	smul.u32 $0x190000, s1  }
0x9: {  	p0 =	sne.s32 s4, $0x0;
	s3 =	simm.s32 $0x0;
	s7 =	smul.u32 $0x640, s6  }
0xa: {  	s4 =	simm.s32 $0x17000;
	[smem:$0x7FF] =	sst s3;
	s6 =	smul.u32 $0x6400, s6  }
0xb: {  	s9 =	sshrl.u32 s8, $0x1;
	s5 =	sadd.s32 s10, s5;
	s10 =	simm.s32 $0x40  }
0xc: {  	_ =	strace $0x80000047;
	s24 =	ssub.s32 s8, s9;
	[dreg:$0x5] =	wrdreg s11  }
0xd: {  	s26 =	sadd.s32 s1, s5;
	s8 =	simm.s32 $0x13;
	s6 =	sadd.s32 s11, s6  }
.Ltmp0:
0xe: {  	s25 =	sadd.s32 $0x50, s7;
	[dreg:$0x9] =	wrdreg s26;
	(pc) =	sbr.rel .LBB2_1-.Ltmp0, $4  }
0xf: {  	s0 =	smax.u32 s24, $0x1;
	s24 =	simm.s32 $0x5;
	[dreg:$0x6] =	wrdreg s6  }
0x10: {  	s26 =	simm.s32 $0x7;
	s11 =	simm.s32 $0x14;
	[dreg:$0x7] =	wrdreg s25  }
0x11: {  	[dreg:$0x8] =	wrdreg s0;
	s0 =	sshrl.u32 @!p0 s2, $0x3;
	s25 =	simm.s32 $0x6  }
0x12: {  	s6 =	simm.s32 $0x12;
	[dreg:$0xa] =	wrdreg s0;
	s0 =	simm.s32 $0x0  }
.LBB2_6:
0x13: {  	s0 =	simm.s32 $0xC  }
0x14: {  	_ =	swait.ge [sflag:s0], $0x2000  }
0x15: {  	[sflag:s0] =	ssyncset.done $0x0  }
0x16: {  	s15 =	simm.s32 $0xD;
	[sflag:s0] =	ssyncadd.s32 $0xFFFFE000  }
0x17: {  	_ =	swait.ge [sflag:s15], $0x2000  }
0x18: {  	[sflag:s15] =	ssyncset.done $0x0  }
0x19: {  	s16 =	simm.s32 $0xE;
	[sflag:s15] =	ssyncadd.s32 $0xFFFFE000  }
0x1a: {  	_ =	swait.ge [sflag:s16], $0x2000  }
0x1b: {  	[sflag:s16] =	ssyncset.done $0x0  }
0x1c: {  	s17 =	simm.s32 $0xF;
	[sflag:s16] =	ssyncadd.s32 $0xFFFFE000  }
0x1d: {  	_ =	swait.ge [sflag:s17], $0x2000  }
0x1e: {  	[sflag:s17] =	ssyncset.done $0x0  }
0x1f: {  	s18 =	simm.s32 $0x10;
	[sflag:s17] =	ssyncadd.s32 $0xFFFFE000  }
0x20: {  	_ =	swait.ge [sflag:s18], $0x2000  }
0x21: {  	[sflag:s18] =	ssyncset.done $0x0  }
0x22: {  	s19 =	simm.s32 $0x11;
	[sflag:s18] =	ssyncadd.s32 $0xFFFFE000  }
0x23: {  	_ =	swait.ge [sflag:s19], $0x2000  }
0x24: {  	[sflag:s19] =	ssyncset.done $0x0  }
0x25: {  	[sflag:s19] =	ssyncadd.s32 $0xFFFFE000  }
0x26: {  	_ =	swait.ge [sflag:s6], $0x2000  }
0x27: {  	[sflag:s6] =	ssyncset.done $0x0  }
0x28: {  	[sflag:s6] =	ssyncadd.s32 $0xFFFFE000  }
0x29: {  	_ =	swait.ge [sflag:s8], $0x2000  }
0x2a: {  	[sflag:s8] =	ssyncset.done $0x0  }
0x2b: {  	[sflag:s8] =	ssyncadd.s32 $0xFFFFE000  }
0x2c: {  	_ =	swait.ge [sflag:s11], $0x2000  }
0x2d: {  	[sflag:s11] =	ssyncset.done $0x0  }
0x2e: {  	[sflag:s11] =	ssyncadd.s32 $0xFFFFE000  }
0x2f: {  	_ =	swait.ge [sflag:s12], $0x2000  }
0x30: {  	s20 =	rddreg [dreg:$0xb]  }
0x31: {  	s13 =	rddreg [dreg:$0x8];
	s0 =	sadd.s32 $0x1, s20  }
0x32: {  	p1 =	sne.s32 s0, s13  }
.Ltmp1:
0x33: {  	_ = 	snop;
	(pc) =	sbr.rel @!p1 .LBB2_7-.Ltmp1, $3  }
0x34: {  	_ =	sdelay $0x1  }
0x35: {  	[sflag:s12] =	ssyncset.done $0x0  }
0x36: {  	[sflag:s12] =	ssyncadd.s32 $0xFFFFE000  }
.LBB2_1:
0x37: {  	[dreg:$0xb] =	wrdreg s0  }
0x38: {  	s14 =	rddreg [dreg:$0x1]  }
0x39: {  	s13 =	simm.s32 @!p0 $0x1C16;
	s15 =	rddreg [dreg:$0xa]  }
0x3a: {  	[spmem:s15], [sflag:s13] =	dma.local @!p0 [hbm:s14], $0x200  }
0x3b: {  	s13 =	simm.s32 @!p0 $0x16  }
0x3c: {  	_ =	swait.ge @!p0 [sflag:s13], $0x200  }
.Ltmp2:
0x3d: {  	[sflag:s13] =	ssyncset.done @!p0 $0x0;
	(pc) =	sbr.rel .LBB2_2-.Ltmp2, $4  }
0x3e: {  	s20 =	rddreg [dreg:$0x6];
	[sflag:s13] =	ssyncadd.s32 @!p0 $0xFFFFFE00  }
0x3f: {  	[tilespmem:s3], [sflag:$0x1] =	stream.linear.gather [hbm4b:s20+s3], $0x2800, $0x38;
	[tilespmem:$0x19100] =	vst v63  }
0x40: {  	[bflag:$0x0] =	sbarrier.arrive $0xFFFF  }
0x41: {  	s14 =	simm.s32 $0x0;
	s13 =	simm.s32 $0x0  }
.LBB2_4:
0x42: {  	s16 =	smul.u32 $0x1400, s16;
	s0 =	simm.s32 $0xC  }
0x43: {  	_ =	swait.ge [sflag:s0], $0x2000  }
0x44: {  	s17 =	simm.s32 $0x5000;
	[sflag:s0] =	ssyncset.done $0x0;
	s16 =	sshrl.u32 s16, $0x2  }
0x45: {  	s19 =	simm.s32 $0xD;
	[sflag:s0] =	ssyncadd.s32 $0xFFFFE000;
	s15 =	sadd.s32 s16, s15  }
0x46: {  	[tilespmem:s17], [sflag:$0x2] =	stream.indirect.gather [spmem:s2], $0x80, s15, s10, $0xb8;
	[tilespmem:$0x19100] =	vst v63  }
0x47: {  	_ =	swait.ge [sflag:s19], $0x2000  }
0x48: {  	s18 =	simm.s32 $0x7000;
	[sflag:s19] =	ssyncset.done $0x0  }
0x49: {  	s20 =	simm.s32 $0xE;
	s16 =	sor.u32 $0x80, s15;
	[sflag:s19] =	ssyncadd.s32 $0xFFFFE000  }
0x4a: {  	[tilespmem:s18], [sflag:$0x3] =	stream.indirect.gather [spmem:s2], $0x80, s16, s10, $0xb8;
	[tilespmem:$0x19100] =	vst v63  }
0x4b: {  	_ =	swait.ge [sflag:s20], $0x2000  }
0x4c: {  	s1 =	simm.s32 $0xF;
	[sflag:s20] =	ssyncset.done $0x0  }
0x4d: {  	s0 =	sadd.s32 $0x100, s15;
	s19 =	simm.s32 $0x9000;
	[sflag:s20] =	ssyncadd.s32 $0xFFFFE000  }
0x4e: {  	[tilespmem:s19], [sflag:$0x4] =	stream.indirect.gather [spmem:s2], $0x80, s0, s10, $0xb8;
	[tilespmem:$0x19100] =	vst v63  }
0x4f: {  	_ =	swait.ge [sflag:s1], $0x2000  }
0x50: {  	s7 =	simm.s32 $0x10;
	[sflag:s1] =	ssyncset.done $0x0  }
0x51: {  	s5 =	sadd.s32 $0x180, s15;
	s20 =	simm.s32 $0xB000;
	[sflag:s1] =	ssyncadd.s32 $0xFFFFE000  }
0x52: {  	[tilespmem:s20], [sflag:$0x5] =	stream.indirect.gather [spmem:s2], $0x80, s5, s10, $0xb8;
	[tilespmem:$0x19100] =	vst v63  }
0x53: {  	_ =	swait.ge [sflag:s7], $0x2000  }
0x54: {  	s9 =	sadd.s32 $0x200, s15;
	[sflag:s7] =	ssyncset.done $0x0  }
0x55: {  	s16 =	simm.s32 $0x11;
	s1 =	simm.s32 $0xD000;
	[sflag:s7] =	ssyncadd.s32 $0xFFFFE000  }
0x56: {  	[tilespmem:s1], [sflag:$0x6] =	stream.indirect.gather [spmem:s2], $0x80, s9, s10, $0xb8;
	[tilespmem:$0x19100] =	vst v63  }
0x57: {  	_ =	swait.ge [sflag:s16], $0x2000  }
0x58: {  	[sflag:s16] =	ssyncset.done $0x0  }
0x59: {  	s0 =	simm.s32 $0xF000;
	s5 =	sadd.s32 $0x280, s15;
	[sflag:s16] =	ssyncadd.s32 $0xFFFFE000  }
0x5a: {  	[tilespmem:s0], [sflag:$0x7] =	stream.indirect.gather [spmem:s2], $0x80, s5, s10, $0xb8;
	[tilespmem:$0x19100] =	vst v63  }
0x5b: {  	_ =	swait.ge [sflag:s6], $0x2000  }
0x5c: {  	[sflag:s6] =	ssyncset.done $0x0  }
0x5d: {  	s7 =	sadd.s32 $0x300, s15;
	s5 =	simm.s32 $0x11000;
	[sflag:s6] =	ssyncadd.s32 $0xFFFFE000  }
0x5e: {  	[tilespmem:s5], [sflag:$0x8] =	stream.indirect.gather [spmem:s2], $0x80, s7, s10, $0xb8;
	[tilespmem:$0x19100] =	vst v63  }
0x5f: {  	_ =	swait.ge [sflag:s8], $0x2000  }
0x60: {  	[sflag:s8] =	ssyncset.done $0x0  }
0x61: {  	s9 =	sadd.s32 $0x380, s15;
	s7 =	simm.s32 $0x13000;
	[sflag:s8] =	ssyncadd.s32 $0xFFFFE000  }
0x62: {  	[tilespmem:s7], [sflag:$0x9] =	stream.indirect.gather [spmem:s2], $0x80, s9, s10, $0xb8;
	[tilespmem:$0x19100] =	vst v63  }
0x63: {  	_ =	swait.ge [sflag:s11], $0x2000  }
0x64: {  	[sflag:s11] =	ssyncset.done $0x0  }
0x65: {  	s16 =	sadd.s32 $0x400, s15;
	s9 =	simm.s32 $0x15000;
	[sflag:s11] =	ssyncadd.s32 $0xFFFFE000  }
0x66: {  	[tilespmem:s9], [sflag:$0xA] =	stream.indirect.gather [spmem:s2], $0x80, s16, s10, $0xb8;
	[tilespmem:$0x19100] =	vst v63  }
0x67: {  	_ =	swait.ge [sflag:s12], $0x2000  }
0x68: {  	[sflag:s12] =	ssyncset.done $0x0  }
0x69: {  	[sflag:s12] =	ssyncadd.s32 $0xFFFFE000  }
.LBB2_5:
0x6a: {  	s15 =	sadd.s32 $0x480, s15  }
0x6b: {  	[tilespmem:s4], [sflag:$0xB] =	stream.indirect.gather [spmem:s2], $0x80, s15, s10, $0xb8;
	[tilespmem:$0x19100] =	vst v63  }
0x6c: {  	_ =	swait.ge [sflag:s21], $0x2000  }
0x6d: {  	[sflag:s21] =	ssyncset.done $0x0;
	s16 =	rddreg [dreg:$0x9]  }
0x6e: {  	[sflag:s21] =	ssyncadd.s32 $0xFFFFE000;
	s15 =	sadd.s32 s13, s16  }
0x6f: {  	[hbm4b:s15+s3] =	stream.linear.scatter [tilespmem:s17], [sflag:$0xC], $0x2000, $0x38;
	[tilespmem:$0x19100] =	vst v63  }
0x70: {  	_ =	swait.ge [sflag:s22], $0x2000  }
0x71: {  	[sflag:s22] =	ssyncset.done $0x0  }
0x72: {  	s16 =	sadd.s32 $0x400, s15;
	[sflag:s22] =	ssyncadd.s32 $0xFFFFE000  }
0x73: {  	[hbm4b:s16+s3] =	stream.linear.scatter [tilespmem:s18], [sflag:$0xD], $0x2000, $0x38;
	[tilespmem:$0x19100] =	vst v63  }
0x74: {  	_ =	swait.ge [sflag:s23], $0x2000  }
0x75: {  	[sflag:s23] =	ssyncset.done $0x0  }
0x76: {  	s18 =	sadd.s32 $0x800, s15;
	[sflag:s23] =	ssyncadd.s32 $0xFFFFE000  }
0x77: {  	[hbm4b:s18+s3] =	stream.linear.scatter [tilespmem:s19], [sflag:$0xE], $0x2000, $0x38;
	[tilespmem:$0x19100] =	vst v63  }
0x78: {  	_ =	swait.ge [sflag:s24], $0x2000  }
0x79: {  	[sflag:s24] =	ssyncset.done $0x0  }
0x7a: {  	s19 =	sadd.s32 $0xC00, s15;
	[sflag:s24] =	ssyncadd.s32 $0xFFFFE000  }
0x7b: {  	[hbm4b:s19+s3] =	stream.linear.scatter [tilespmem:s20], [sflag:$0xF], $0x2000, $0x38;
	[tilespmem:$0x19100] =	vst v63  }
0x7c: {  	_ =	swait.ge [sflag:s25], $0x2000  }
0x7d: {  	[sflag:s25] =	ssyncset.done $0x0  }
0x7e: {  	s20 =	sadd.s32 $0x1000, s15;
	[sflag:s25] =	ssyncadd.s32 $0xFFFFE000  }
0x7f: {  	[hbm4b:s20+s3] =	stream.linear.scatter [tilespmem:s1], [sflag:$0x10], $0x2000, $0x38;
	[tilespmem:$0x19100] =	vst v63  }
0x80: {  	_ =	swait.ge [sflag:s26], $0x2000  }
0x81: {  	[sflag:s26] =	ssyncset.done $0x0  }
0x82: {  	s17 =	sadd.s32 $0x1400, s15;
	[sflag:s26] =	ssyncadd.s32 $0xFFFFE000  }
0x83: {  	[hbm4b:s17+s3] =	stream.linear.scatter [tilespmem:s0], [sflag:$0x11], $0x2000, $0x38;
	[tilespmem:$0x19100] =	vst v63  }
0x84: {  	_ =	swait.ge [sflag:s28], $0x2000  }
0x85: {  	[sflag:s28] =	ssyncset.done $0x0  }
0x86: {  	s18 =	sadd.s32 $0x1800, s15;
	[sflag:s28] =	ssyncadd.s32 $0xFFFFE000  }
0x87: {  	[hbm4b:s18+s3] =	stream.linear.scatter [tilespmem:s5], [sflag:$0x12], $0x2000, $0x38;
	[tilespmem:$0x19100] =	vst v63  }
0x88: {  	_ =	swait.ge [sflag:s29], $0x2000  }
0x89: {  	[sflag:s29] =	ssyncset.done $0x0  }
0x8a: {  	s19 =	sadd.s32 $0x1C00, s15;
	[sflag:s29] =	ssyncadd.s32 $0xFFFFE000  }
0x8b: {  	[hbm4b:s19+s3] =	stream.linear.scatter [tilespmem:s7], [sflag:$0x13], $0x2000, $0x38;
	[tilespmem:$0x19100] =	vst v63  }
0x8c: {  	_ =	swait.ge [sflag:s30], $0x2000  }
0x8d: {  	s13 =	sadd.s32 $0x2800, s13;
	[sflag:s30] =	ssyncset.done $0x0  }
0x8e: {  	p1 =	sne.s32 s13, $0x190000;
	s20 =	sadd.s32 $0x2000, s15;
	[sflag:s30] =	ssyncadd.s32 $0xFFFFE000  }
0x8f: {  	[hbm4b:s20+s3] =	stream.linear.scatter [tilespmem:s9], [sflag:$0x14], $0x2000, $0x38;
	[tilespmem:$0x19100] =	vst v63  }
.Ltmp3:
0x90: {  	_ = 	snop;
	(pc) =	sbr.rel @!p1 .LBB2_6-.Ltmp3, $4  }
0x91: {  	_ =	swait.ge [sflag:s31], $0x2000  }
0x92: {  	[sflag:s31] =	ssyncset.done $0x0  }
0x93: {  	s14 =	sadd.s32 $0x1, s14;
	s15 =	sadd.s32 $0x2400, s15;
	[sflag:s31] =	ssyncadd.s32 $0xFFFFE000  }
0x94: {  	[hbm4b:s15+s3] =	stream.linear.scatter [tilespmem:s4], [sflag:$0x15], $0x2000, $0x38;
	[tilespmem:$0x19100] =	vst v63  }
.LBB2_2:
0x95: {  	s16 =	sand.u32 $0x7, s14  }
0x96: {  	p2 =	sne.s32 s16, $0x0  }
0x97: {  	s15 =	sshrl.u32 s14, $0x3;
	p1 =	sgt.u32 @!p2 s14, $0x97  }
0x98: {  	s17 =	sand.u32 $0x1, s15;
	s18 =	simm.s32 @!p2 $0x1;
	p1 =	por p2, p1  }
0x99: {  	_ =	swait.ge @!p2 [sflag:s18], $0x2800;
	s15 =	smul.u32 @!p1 $0x50, s15;
	s19 =	sxor.u32 @!p1 $0x1, s17  }
0x9a: {  	[sflag:s18] =	ssyncset.done @!p2 $0x0;
	s20 =	rddreg [dreg:$0x7];
	s19 =	smul.u32 @!p1 $0xA000, s19  }
0x9b: {  	[sflag:s18] =	ssyncadd.s32 @!p2 $0xFFFFD800;
	s15 =	sadd.s32 @!p1 s15, s20  }
0x9c: {  	s15 =	sshll.u32 @!p1 s15, $0x4;
	s18 =	sshrl.u32 @!p1 s19, $0x2;
	s19 =	rddreg [dreg:$0x5]  }
0x9d: {  	p2 =	sne.s32 @!p1 s13, $0x0;
	s15 =	sadd.s32 @!p1 s19, s15;
	s19 =	simm.s32 @!p1 $0x0  }
0x9e: {  	[tilespmem:s18], [sflag:$0x1] =	stream.linear.gather @!p1 [hbm4b:s15+s19], $0x2800, $0x38;
	[tilespmem:$0x19100] =	vst v63  }
0x9f: {  	p1 =	por p1, p2  }
.Ltmp4:
0xa0: {  	_ = 	snop;
	(pc) =	sbr.rel @p1 .LBB2_4-.Ltmp4, $3  }
0xa1: {  	_ = 	snop  }
0xa2: {  	s20 =	smul.u32 $0xA000, s17;
	_ =	sdelay $0x1  }
0xa3: {  	s15 =	sshrl.u32 s20, $0x2  }
0xa4: {  	s17 =	simm.s32 $0x5000  }
0xa5: {  	[tilespmem:s17], [sflag:$0x2] =	stream.indirect.gather [spmem:s2], $0x80, s15, s10, $0xb8;
	[tilespmem:$0x19100] =	vst v63  }
0xa6: {  	s16 =	sor.u32 $0x80, s15;
	s18 =	simm.s32 $0x7000  }
0xa7: {  	[tilespmem:s18], [sflag:$0x3] =	stream.indirect.gather [spmem:s2], $0x80, s16, s10, $0xb8;
	[tilespmem:$0x19100] =	vst v63  }
0xa8: {  	s7 =	sor.u32 $0x100, s15;
	s19 =	simm.s32 $0x9000  }
0xa9: {  	[tilespmem:s19], [sflag:$0x4] =	stream.indirect.gather [spmem:s2], $0x80, s7, s10, $0xb8;
	[tilespmem:$0x19100] =	vst v63  }
0xaa: {  	s9 =	sor.u32 $0x180, s15;
	s20 =	simm.s32 $0xB000  }
0xab: {  	[tilespmem:s20], [sflag:$0x5] =	stream.indirect.gather [spmem:s2], $0x80, s9, s10, $0xb8;
	[tilespmem:$0x19100] =	vst v63  }
0xac: {  	s0 =	sor.u32 $0x200, s15;
	s1 =	simm.s32 $0xD000  }
0xad: {  	[tilespmem:s1], [sflag:$0x6] =	stream.indirect.gather [spmem:s2], $0x80, s0, s10, $0xb8;
	[tilespmem:$0x19100] =	vst v63  }
0xae: {  	s5 =	sor.u32 $0x280, s15;
	s0 =	simm.s32 $0xF000  }
0xaf: {  	[tilespmem:s0], [sflag:$0x7] =	stream.indirect.gather [spmem:s2], $0x80, s5, s10, $0xb8;
	[tilespmem:$0x19100] =	vst v63  }
0xb0: {  	s7 =	sor.u32 $0x300, s15;
	s5 =	simm.s32 $0x11000  }
0xb1: {  	[tilespmem:s5], [sflag:$0x8] =	stream.indirect.gather [spmem:s2], $0x80, s7, s10, $0xb8;
	[tilespmem:$0x19100] =	vst v63  }
.Ltmp5:
0xb2: {  	_ = 	snop;
	(pc) =	sbr.rel .LBB2_5-.Ltmp5, $4  }
0xb3: {  	s9 =	sor.u32 $0x380, s15;
	s7 =	simm.s32 $0x13000  }
0xb4: {  	[tilespmem:s7], [sflag:$0x9] =	stream.indirect.gather [spmem:s2], $0x80, s9, s10, $0xb8;
	[tilespmem:$0x19100] =	vst v63  }
0xb5: {  	s16 =	sor.u32 $0x400, s15;
	s9 =	simm.s32 $0x15000  }
0xb6: {  	[tilespmem:s9], [sflag:$0xA] =	stream.indirect.gather [spmem:s2], $0x80, s16, s10, $0xb8;
	[tilespmem:$0x19100] =	vst v63  }
.LBB2_7:
0xb7: {  	_ =	sfence.sel $0x180000  }
0xb8: {  	[bflag:$0x0] =	sbarrier.arrive $0xFFFF  }
0xb9: {  	_ =	strace $0x90000047  }
0xba: {  	[bflag:$0x2] =	sbarrier.arrive $0xFFFF  }
0xbb: {  	s0 =	rddreg [dreg:$0x4]  }
0xbc: {  	s0 =	sadd.s32 @!p0 $0x100000, s0  }
0xbd: {  	[sflag:s0] =	ssyncadd.tile.s32 @!p0 $0x1;
	_ =	shalt  }
.Lfunc_end2:
_tile_overlayer_lowered:
.L_overlay_start_2:
0xbe: {  	(tag) =	ssettag $0x2  }
0xbf: {  	s0 =	rddreg [dreg:$0x0];
	s2 =	stileid.u32  }
0xc0: {  	s1 =	rddreg [dreg:$0x1];
	p0 =	sne.s32 s2, $0x0  }
0xc1: {  	s3 =	rddreg [dreg:$0x2];
	[bflag:$0x3] =	sbarrier.arrive $0xFFFF;
	s2 =	simm.s32 @!p0 $0x1C16  }
0xc2: {  	[timem:s3], [sflag:s2] =	dma.local @!p0 [hbm:s0], s1  }
0xc3: {  	s0 =	simm.s32 @!p0 $0x16  }
0xc4: {  	_ =	swait.ge @!p0 [sflag:s0], s1  }
0xc5: {  	s1 =	ssub.s32 @!p0 $0x0, s1;
	[sflag:s0] =	ssyncset.done @!p0 $0x0  }
0xc6: {  	[sflag:s0] =	ssyncadd.s32 @!p0 s1  }
0xc7: {  	[bflag:$0x3] =	sbarrier.arrive $0xFFFF  }
0xc8: {  	_ =	shalt  }

</sc_bundles>
